<compile_context>
chip_gen: v7x
topology: tpu7x:2x2x1
jax: 0.10.2.dev20260603
libtpu: 0.0.44.dev20260713+nightly
codegen_flags: <defaults>
</compile_context>

<pallas_src>
import functools
import numpy as np
import jax
import jax.numpy as jnp
from jax import lax
from jax.experimental import pallas as pl
from jax.experimental.pallas import tpu as pltpu
from jax.experimental.pallas import tpu_sc as plsc

_R = 16
_NC = 2
_NS = 16


def _route_kernel(xh_ref, wq_ref, bq_ref, wk_ref, bk_ref, wv_ref, bv_ref,
                  pe_ref, q_out, wkv1_out, wkv2_out, c1_out, c2_out):
    h = pl.program_id(0)
    S, HD = xh_ref.shape[1], xh_ref.shape[2]
    P = pe_ref.shape[1]

    x = xh_ref[0]
    q = jnp.dot(x, wq_ref[0], preferred_element_type=jnp.float32) + bq_ref[0]
    kk = jnp.dot(x, wk_ref[0], preferred_element_type=jnp.float32) + bk_ref[0]
    vv = jnp.dot(x, wv_ref[0], preferred_element_type=jnp.float32) + bv_ref[0]

    logits = lax.dot_general(q, pe_ref[0], (((1,), (1,)), ((), ())),
                             preferred_element_type=jnp.float32)
    pid = lax.broadcasted_iota(jnp.int32, (S, P), 1)
    m1 = jnp.max(logits, axis=-1, keepdims=True)
    am1 = jnp.min(jnp.where(logits == m1, pid, P), axis=-1, keepdims=True)
    l2 = jnp.where(pid == am1, -jnp.inf, logits)
    m2 = jnp.max(l2, axis=-1, keepdims=True)
    am2 = jnp.min(jnp.where(l2 == m2, pid, P), axis=-1, keepdims=True)
    e2 = jnp.exp(m2 - m1)
    g1 = 1.0 / (1.0 + e2)
    g2 = e2 / (1.0 + e2)

    q_out[0] = q
    kv = jnp.concatenate([kk, vv], axis=1)
    wkv1_out[0] = g1 * kv
    wkv2_out[0] = g2 * kv

    hps = pl.num_programs(0) // _NC
    row = lax.broadcasted_iota(jnp.int32, (S, 1), 0) % _R
    base = (h % hps) * P * _R
    c1_out[0] = base + am1 * _R + row
    c2_out[0] = base + am2 * _R + row


def _attend_kernel(q_ref, st_ref, c1_ref, c2_ref, wot_ref, bo_ref, out_ref):
    h = pl.program_id(0)
    S, HD = q_ref.shape[1], q_ref.shape[2]
    PR = st_ref.shape[1]

    q = q_ref[0]
    st = st_ref[0]
    st_k = st[:, :HD]
    st_v = st[:, HD:]
    hps = pl.num_programs(0) // _NC
    base = (h % hps) * PR
    am1 = (c1_ref[0] - base) // _R
    am2 = (c2_ref[0] - base) // _R

    scores = lax.dot_general(q, st_k, (((1,), (1,)), ((), ())),
                             preferred_element_type=jnp.float32)
    scores = scores * (1.0 / np.sqrt(HD))
    cp = lax.broadcasted_iota(jnp.int32, (S, PR), 1) // _R
    sel = (cp == am1) | (cp == am2)
    sm = jnp.where(sel, scores, -jnp.inf)
    mx = jnp.max(sm, axis=-1, keepdims=True)
    prob = jnp.where(sel, jnp.exp(sm - mx), 0.0)
    aw = prob / jnp.sum(prob, axis=-1, keepdims=True)
    hv = jnp.dot(aw, st_v, preferred_element_type=jnp.float32)

    contrib = jnp.dot(hv, wot_ref[0], preferred_element_type=jnp.float32)

    @pl.when(h == 0)
    def _():
        out_ref[...] = jnp.broadcast_to(bo_ref[...], out_ref.shape)

    out_ref[...] += contrib


def _make_sc_scatter(H, S, HD, PR):
    rows_per_sc = (H // _NC) * S
    rpt = rows_per_sc // _NS
    local = (H // _NC) * PR
    slc = local // _NS
    n_sub = rpt // 128
    W = 2 * HD

    mesh = plsc.VectorSubcoreMesh(core_axis_name="c", subcore_axis_name="s",
                                  num_cores=_NC, num_subcores=_NS)

    @functools.partial(
        pl.kernel, mesh=mesh,
        out_type=jax.ShapeDtypeStruct((H * PR, W), jnp.float32),
        scratch_types=[
            pltpu.VMEM((rpt, W), jnp.float32),
            pltpu.VMEM((8, 128), jnp.int32),
            pltpu.VMEM_SHARED((local, W), jnp.float32),
        ])
    def scatter(wkv1, wkv2, c1, c2, zeros, st_o, rowbuf, idxbuf, st_sh):
        c = lax.axis_index("c")
        s = lax.axis_index("s")

        pltpu.sync_copy(zeros.at[pl.ds(s * slc, slc)],
                        st_sh.at[pl.ds(s * slc, slc)])
        plsc.subcore_barrier()

        base = c * rows_per_sc + s * rpt
        tid = c * _NS + s
        for src, idxsrc in ((wkv1, c1), (wkv2, c2)):
            pltpu.sync_copy(idxsrc.at[pl.ds(tid * 8, 8)], idxbuf)
            pltpu.sync_copy(src.at[pl.ds(base, rpt)], rowbuf)
            for j in range(n_sub):
                pltpu.sync_copy(rowbuf.at[pl.ds(j * 128, 128)],
                                st_sh.at[idxbuf.at[j]], add=True)
        plsc.subcore_barrier()

        out_base = c * local + s * slc
        pltpu.sync_copy(st_sh.at[pl.ds(s * slc, slc)],
                        st_o.at[pl.ds(out_base, slc)])

    return scatter


def kernel(x, Wq, bq, Wk, bk, Wv, bv, part_emb, Wo, bo):
    B, S, D = x.shape
    H, HD, _ = Wq.shape
    P = part_emb.shape[1]
    PR = P * _R

    xh = x.reshape(S, H, HD).transpose(1, 0, 2)
    wot = Wo.T.reshape(H, HD, D)
    bq3 = bq.reshape(H, 1, HD)
    bk3 = bk.reshape(H, 1, HD)
    bv3 = bv.reshape(H, 1, HD)
    bo2 = bo.reshape(1, D)

    head_spec = lambda shape: pl.BlockSpec(
        shape, lambda h: (h,) + (0,) * (len(shape) - 1))
    f32 = jnp.float32

    q, wkv1, wkv2, c1, c2 = pl.pallas_call(
        _route_kernel,
        grid=(H,),
        in_specs=[
            head_spec((1, S, HD)),
            head_spec((1, HD, HD)), head_spec((1, 1, HD)),
            head_spec((1, HD, HD)), head_spec((1, 1, HD)),
            head_spec((1, HD, HD)), head_spec((1, 1, HD)),
            head_spec((1, P, HD)),
        ],
        out_specs=[head_spec((1, S, HD)),
                   head_spec((1, S, 2 * HD)), head_spec((1, S, 2 * HD)),
                   head_spec((1, S, 1)), head_spec((1, S, 1))],
        out_shape=[jax.ShapeDtypeStruct((H, S, HD), f32),
                   jax.ShapeDtypeStruct((H, S, 2 * HD), f32),
                   jax.ShapeDtypeStruct((H, S, 2 * HD), f32),
                   jax.ShapeDtypeStruct((H, S, 1), jnp.int32),
                   jax.ShapeDtypeStruct((H, S, 1), jnp.int32)],
        compiler_params=pltpu.CompilerParams(
            dimension_semantics=("parallel",)),
    )(xh, Wq, bq3, Wk, bk3, Wv, bv3, part_emb)

    sc_scatter = _make_sc_scatter(H, S, HD, PR)
    zeros = jnp.zeros(((H // _NC) * PR, 2 * HD), f32)
    ntile = _NC * _NS
    grp = H * S // ntile // 128
    c1p = jnp.pad(c1.reshape(ntile, grp, 128),
                  ((0, 0), (0, 8 - grp), (0, 0))).reshape(ntile * 8, 128)
    c2p = jnp.pad(c2.reshape(ntile, grp, 128),
                  ((0, 0), (0, 8 - grp), (0, 0))).reshape(ntile * 8, 128)
    st = sc_scatter(wkv1.reshape(H * S, 2 * HD), wkv2.reshape(H * S, 2 * HD),
                    c1p, c2p, zeros)

    out = pl.pallas_call(
        _attend_kernel,
        grid=(H,),
        in_specs=[
            head_spec((1, S, HD)),
            head_spec((1, PR, 2 * HD)),
            head_spec((1, S, 1)), head_spec((1, S, 1)),
            head_spec((1, HD, D)),
            pl.BlockSpec((1, D), lambda h: (0, 0)),
        ],
        out_specs=pl.BlockSpec((S, D), lambda h: (0, 0)),
        out_shape=jax.ShapeDtypeStruct((S, D), f32),
        compiler_params=pltpu.CompilerParams(
            dimension_semantics=("arbitrary",)),
    )(q, st.reshape(H, PR, 2 * HD), c1, c2, wot, bo2)
    return out.reshape(B, S, D)

# --- scband reference (transcript-rebuilt; emitter-appended) ---
"""Pipeline reference for scband-ssemulti-head-attention-17566416241403 (READ-ONLY COPY).

The authoritative reference and input builder live on the scoring server;
editing this copy changes nothing except your own understanding.
"""

import jax, jax.numpy as jnp
import numpy as np

B = 1
S = 2048
D = 768
H = 12
HD = D // H  # 64
P = 32
K = 2
R = 16


def setup_inputs(seed: int = 0) -> dict:
    key = jax.random.key(seed)
    ks = jax.random.split(key, 10)
    sc = 1.0 / np.sqrt(HD)
    x = jax.random.normal(ks[0], (B, S, D), dtype=jnp.float32)
    Wq = jax.random.normal(ks[1], (H, HD, HD), dtype=jnp.float32) * sc
    bq = jnp.zeros((H, HD), dtype=jnp.float32)
    Wk = jax.random.normal(ks[2], (H, HD, HD), dtype=jnp.float32) * sc
    bk = jnp.zeros((H, HD), dtype=jnp.float32)
    Wv = jax.random.normal(ks[3], (H, HD, HD), dtype=jnp.float32) * sc
    bv = jnp.zeros((H, HD), dtype=jnp.float32)
    part_emb = jax.random.normal(ks[4], (H, P, HD), dtype=jnp.float32) * sc
    Wo = jax.random.normal(ks[5], (D, D), dtype=jnp.float32) * (1.0 / np.sqrt(D))
    bo = jnp.zeros((D,), dtype=jnp.float32)
    return {"x": x, "Wq": Wq, "bq": bq, "Wk": Wk, "bk": bk, "Wv": Wv,
            "bv": bv, "part_emb": part_emb, "Wo": Wo, "bo": bo}


def _sse_forward(x, Wq, bq, Wk, bk, Wv, bv, part_emb, Wo, bo):
    # Split input into per-head streams: [H, B, S, HD]
    xh = x.reshape(B, S, H, HD).transpose(2, 0, 1, 3)
    rows = jnp.arange(S) % R                      # state row per token position
    rows_k = jnp.broadcast_to(rows[:, None], (S, K))

    def single_head(xh_, wq, bq_, wk, bk_, wv, bv_, pe):
        # per-head SSE attention with fresh (reset) sparse state
        q = xh_ @ wq + bq_                        # [B, S, HD]
        kk = xh_ @ wk + bk_
        vv = xh_ @ wv + bv_
        logits = jnp.einsum('bsd,pd->bsp', q, pe)  # router over partitions
        top_vals, top_idx = jax.lax.top_k(logits, K)  # [B, S, K]
        gates = jax.nn.softmax(top_vals, axis=-1)

        def per_batch(qb, kb, vb, idxb, gb):
            # scatter-add gated K/V into selected partition state rows
            wkv = gb[..., None] * kb[:, None, :]   # [S, K, HD]
            wvv = gb[..., None] * vb[:, None, :]
            st_k = jnp.zeros((P, R, HD), dtype=jnp.float32).at[idxb, rows_k].add(wkv)
            st_v = jnp.zeros((P, R, HD), dtype=jnp.float32).at[idxb, rows_k].add(wvv)
            # gather selected partition states back per token and attend
            sk = st_k[idxb]                        # [S, K, R, HD]
            sv = st_v[idxb]
            scores = jnp.einsum('sd,skrd->skr', qb, sk) / np.sqrt(HD)
            a = jax.nn.softmax(scores.reshape(S, K * R), axis=-1).reshape(S, K, R)
            return jnp.einsum('skr,skrd->sd', a, sv)  # [S, HD]

        return jax.vmap(per_batch)(q, kk, vv, top_idx, gates)  # [B, S, HD]

    heads = jax.vmap(single_head)(xh, Wq, bq, Wk, bk, Wv, bv, part_emb)  # [H, B, S, HD]
    concat = heads.transpose(1, 2, 0, 3).reshape(B, S, D)
    return concat @ Wo.T + bo


def reference(x, Wq, bq, Wk, bk, Wv, bv, part_emb, Wo, bo):
    return _sse_forward(x, Wq, bq, Wk, bk, Wv, bv, part_emb, Wo, bo)

if __name__ == "__main__":
    import jax
    _d = setup_inputs()
    print(jax.jit(kernel)(*tuple(_d.values())))

</pallas_src>

<mosaic_0001>
#map = affine_map<(d0, d1) -> (0, 0)>
module attributes {stable_mosaic.version = 14 : i64} {
  func.func @scatter(%arg0: i32, %arg1: i32, %arg2: memref<24576x128xf32, #tpu.memory_space<hbm>>, %arg3: memref<24576x128xf32, #tpu.memory_space<hbm>>, %arg4: memref<256x128xi32, #tpu.memory_space<hbm>>, %arg5: memref<256x128xi32, #tpu.memory_space<hbm>>, %arg6: memref<3072x128xf32, #tpu.memory_space<hbm>>, %arg7: memref<6144x128xf32, #tpu.memory_space<hbm>>, %arg8: memref<768x128xf32, #tpu.memory_space<vmem>>, %arg9: memref<8x128xi32, #tpu.memory_space<vmem>>, %arg10: memref<3072x128xf32, #tpu.memory_space<vmem_shared>>) attributes {dimension_semantics = [#tpu.dimension_semantics<core_parallel>, #tpu.dimension_semantics<subcore_parallel>], iteration_bounds = array<i64: 2, 16>, scalar_prefetch = 0 : i64, scratch_operands = 3 : i64, tpu.core_type = #tpu.core_type<sc_vector_subcore>, window_params = [{transform_indices = #map}, {transform_indices = #map}, {transform_indices = #map}, {transform_indices = #map}, {transform_indices = #map}, {transform_indices = #map}]} {
    %mul3A = arith.constant 192 : i32
    %mul3A_0 = arith.muli %arg1, %mul3A : i32
    %mul3A_1 = arith.constant 192 : i32
    %mul3A_2 = arith.muli %arg1, %mul3A_1 : i32
    "tpu.region"() ({
      %run_scoped3A_33 = tpu.sem_alloc : memref<!tpu.dma_semaphore, #tpu.memory_space<semaphore_mem>>
      %dma_start3A = arith.constant 0 : i32
      %dma_start3A_34 = tpu.memref_slice %arg10[%mul3A_2, %dma_start3A] : memref<3072x128xf32, #tpu.memory_space<vmem_shared>> -> memref<192x128xf32, #tpu.memory_space<vmem_shared>>
      %dma_start3A_35 = arith.constant 0 : i32
      %dma_start3A_36 = tpu.memref_slice %arg6[%mul3A_0, %dma_start3A_35] : memref<3072x128xf32, #tpu.memory_space<hbm>> -> memref<192x128xf32, #tpu.memory_space<hbm>>
      tpu.enqueue_dma source(%dma_start3A_36 : memref<192x128xf32, #tpu.memory_space<hbm>>) target(%dma_start3A_34 : memref<192x128xf32, #tpu.memory_space<vmem_shared>>) target_semaphore(%run_scoped3A_33 : memref<!tpu.dma_semaphore, #tpu.memory_space<semaphore_mem>>)
      %dma_wait3A = arith.constant 0 : i32
      %dma_wait3A_37 = tpu.memref_slice %arg10[%mul3A_2, %dma_wait3A] : memref<3072x128xf32, #tpu.memory_space<vmem_shared>> -> memref<192x128xf32, #tpu.memory_space<vmem_shared>>
      %dma_wait3A_38 = arith.constant 0 : i32
      %dma_wait3A_39 = tpu.memref_slice %arg6[%mul3A_0, %dma_wait3A_38] : memref<3072x128xf32, #tpu.memory_space<hbm>> -> memref<192x128xf32, #tpu.memory_space<hbm>>
      tpu.wait_dma2 semaphore(%run_scoped3A_33 : memref<!tpu.dma_semaphore, #tpu.memory_space<semaphore_mem>>) src(%dma_wait3A_39 : memref<192x128xf32, #tpu.memory_space<hbm>>) dst(%dma_wait3A_37 : memref<192x128xf32, #tpu.memory_space<vmem_shared>>)
      tpu.yield
    }) : () -> ()
    %barrier3A = arith.constant 0 : index
    tpu.barrier barrier_id(%barrier3A)
    %mul3A_3 = arith.constant 12288 : i32
    %mul3A_4 = arith.muli %arg0, %mul3A_3 : i32
    %mul3A_5 = arith.constant 768 : i32
    %mul3A_6 = arith.muli %arg1, %mul3A_5 : i32
    %add3A = arith.addi %mul3A_4, %mul3A_6 : i32
    %mul3A_7 = arith.constant 16 : i32
    %mul3A_8 = arith.muli %arg0, %mul3A_7 : i32
    %add3A_9 = arith.addi %mul3A_8, %arg1 : i32
    %mul3A_10 = arith.constant 8 : i32
    %mul3A_11 = arith.muli %add3A_9, %mul3A_10 : i32
    "tpu.region"() ({
      %run_scoped3A_33 = tpu.sem_alloc : memref<!tpu.dma_semaphore, #tpu.memory_space<semaphore_mem>>
      %dma_start3A = arith.constant 0 : i32
      %dma_start3A_34 = tpu.memref_slice %arg4[%mul3A_11, %dma_start3A] : memref<256x128xi32, #tpu.memory_space<hbm>> -> memref<8x128xi32, #tpu.memory_space<hbm>>
      %dma_start3A_35 = arith.constant 0 : i32
      %dma_start3A_36 = tpu.memref_slice %arg4[%mul3A_11, %dma_start3A_35] : memref<256x128xi32, #tpu.memory_space<hbm>> -> memref<8x128xi32, #tpu.memory_space<hbm>>
      tpu.enqueue_dma source(%dma_start3A_36 : memref<8x128xi32, #tpu.memory_space<hbm>>) target(%arg9 : memref<8x128xi32, #tpu.memory_space<vmem>>) target_semaphore(%run_scoped3A_33 : memref<!tpu.dma_semaphore, #tpu.memory_space<semaphore_mem>>)
      %dma_wait3A = arith.constant 0 : i32
      %dma_wait3A_37 = tpu.memref_slice %arg4[%mul3A_11, %dma_wait3A] : memref<256x128xi32, #tpu.memory_space<hbm>> -> memref<8x128xi32, #tpu.memory_space<hbm>>
      %dma_wait3A_38 = arith.constant 0 : i32
      %dma_wait3A_39 = tpu.memref_slice %arg4[%mul3A_11, %dma_wait3A_38] : memref<256x128xi32, #tpu.memory_space<hbm>> -> memref<8x128xi32, #tpu.memory_space<hbm>>
      tpu.wait_dma2 semaphore(%run_scoped3A_33 : memref<!tpu.dma_semaphore, #tpu.memory_space<semaphore_mem>>) src(%dma_wait3A_39 : memref<8x128xi32, #tpu.memory_space<hbm>>) dst(%arg9 : memref<8x128xi32, #tpu.memory_space<vmem>>)
      tpu.yield
    }) : () -> ()
    "tpu.region"() ({
      %run_scoped3A_33 = tpu.sem_alloc : memref<!tpu.dma_semaphore, #tpu.memory_space<semaphore_mem>>
      %dma_start3A = arith.constant 0 : i32
      %dma_start3A_34 = tpu.memref_slice %arg2[%add3A, %dma_start3A] : memref<24576x128xf32, #tpu.memory_space<hbm>> -> memref<768x128xf32, #tpu.memory_space<hbm>>
      %dma_start3A_35 = arith.constant 0 : i32
      %dma_start3A_36 = tpu.memref_slice %arg2[%add3A, %dma_start3A_35] : memref<24576x128xf32, #tpu.memory_space<hbm>> -> memref<768x128xf32, #tpu.memory_space<hbm>>
      tpu.enqueue_dma source(%dma_start3A_36 : memref<768x128xf32, #tpu.memory_space<hbm>>) target(%arg8 : memref<768x128xf32, #tpu.memory_space<vmem>>) target_semaphore(%run_scoped3A_33 : memref<!tpu.dma_semaphore, #tpu.memory_space<semaphore_mem>>)
      %dma_wait3A = arith.constant 0 : i32
      %dma_wait3A_37 = tpu.memref_slice %arg2[%add3A, %dma_wait3A] : memref<24576x128xf32, #tpu.memory_space<hbm>> -> memref<768x128xf32, #tpu.memory_space<hbm>>
      %dma_wait3A_38 = arith.constant 0 : i32
      %dma_wait3A_39 = tpu.memref_slice %arg2[%add3A, %dma_wait3A_38] : memref<24576x128xf32, #tpu.memory_space<hbm>> -> memref<768x128xf32, #tpu.memory_space<hbm>>
      tpu.wait_dma2 semaphore(%run_scoped3A_33 : memref<!tpu.dma_semaphore, #tpu.memory_space<semaphore_mem>>) src(%dma_wait3A_39 : memref<768x128xf32, #tpu.memory_space<hbm>>) dst(%arg8 : memref<768x128xf32, #tpu.memory_space<vmem>>)
      tpu.yield
    }) : () -> ()
    %run_scoped3A = arith.constant 0 : i32
    "tpu.region"() ({
      %run_scoped3A_33 = tpu.sem_alloc : memref<!tpu.dma_semaphore, #tpu.memory_space<semaphore_mem>>
      %dma_start3A = arith.constant 0 : i32
      %dma_start3A_34 = arith.constant 0 : i32
      %dma_start3A_35 = tpu.memref_slice %arg8[%dma_start3A, %dma_start3A_34] : memref<768x128xf32, #tpu.memory_space<vmem>> -> memref<128x128xf32, #tpu.memory_space<vmem>>
      %dma_start3A_36 = arith.constant 0 : i32
      %dma_start3A_37 = tpu.memref_slice %arg9[%run_scoped3A, %dma_start3A_36] : memref<8x128xi32, #tpu.memory_space<vmem>> -> memref<1x128xi32, #tpu.memory_space<vmem>>
      %dma_start3A_38 = tpu.memref_squeeze %dma_start3A_37 : memref<1x128xi32, #tpu.memory_space<vmem>> -> memref<128xi32, #tpu.memory_space<vmem>>
      %dma_start3A_39 = arith.constant 0 : i32
      %dma_start3A_40 = arith.constant 0 : i32
      %dma_start3A_41 = tpu.memref_slice %arg10[%dma_start3A_39, %dma_start3A_40] : memref<3072x128xf32, #tpu.memory_space<vmem_shared>> -> memref<3072x128xf32, #tpu.memory_space<vmem_shared>>
      tpu.enqueue_indirect_dma source(%dma_start3A_35 : memref<128x128xf32, #tpu.memory_space<vmem>>) target(%dma_start3A_41 : memref<3072x128xf32, #tpu.memory_space<vmem_shared>>) offsets(%dma_start3A_38 : memref<128xi32, #tpu.memory_space<vmem>>) semaphore(%run_scoped3A_33 : memref<!tpu.dma_semaphore, #tpu.memory_space<semaphore_mem>>) {add = true}
      %dma_wait3A = arith.constant 0 : i32
      %dma_wait3A_42 = arith.constant 0 : i32
      %dma_wait3A_43 = tpu.memref_slice %arg8[%dma_wait3A, %dma_wait3A_42] : memref<768x128xf32, #tpu.memory_space<vmem>> -> memref<128x128xf32, #tpu.memory_space<vmem>>
      %dma_wait3A_44 = arith.constant 0 : i32
      %dma_wait3A_45 = tpu.memref_slice %arg9[%run_scoped3A, %dma_wait3A_44] : memref<8x128xi32, #tpu.memory_space<vmem>> -> memref<1x128xi32, #tpu.memory_space<vmem>>
      %dma_wait3A_46 = tpu.memref_squeeze %dma_wait3A_45 : memref<1x128xi32, #tpu.memory_space<vmem>> -> memref<128xi32, #tpu.memory_space<vmem>>
      %dma_wait3A_47 = arith.constant 0 : i32
      %dma_wait3A_48 = arith.constant 0 : i32
      %dma_wait3A_49 = tpu.memref_slice %arg10[%dma_wait3A_47, %dma_wait3A_48] : memref<3072x128xf32, #tpu.memory_space<vmem_shared>> -> memref<3072x128xf32, #tpu.memory_space<vmem_shared>>
      tpu.wait_indirect_dma semaphore(%run_scoped3A_33 : memref<!tpu.dma_semaphore, #tpu.memory_space<semaphore_mem>>) src(%dma_wait3A_43 : memref<128x128xf32, #tpu.memory_space<vmem>>) dst(%dma_wait3A_49 : memref<3072x128xf32, #tpu.memory_space<vmem_shared>>)
      tpu.yield
    }) : () -> ()
    %run_scoped3A_12 = arith.constant 1 : i32
    "tpu.region"() ({
      %run_scoped3A_33 = tpu.sem_alloc : memref<!tpu.dma_semaphore, #tpu.memory_space<semaphore_mem>>
      %dma_start3A = arith.constant 128 : i32
      %dma_start3A_34 = arith.constant 0 : i32
      %dma_start3A_35 = tpu.memref_slice %arg8[%dma_start3A, %dma_start3A_34] : memref<768x128xf32, #tpu.memory_space<vmem>> -> memref<128x128xf32, #tpu.memory_space<vmem>>
      %dma_start3A_36 = arith.constant 0 : i32
      %dma_start3A_37 = tpu.memref_slice %arg9[%run_scoped3A_12, %dma_start3A_36] : memref<8x128xi32, #tpu.memory_space<vmem>> -> memref<1x128xi32, #tpu.memory_space<vmem>>
      %dma_start3A_38 = tpu.memref_squeeze %dma_start3A_37 : memref<1x128xi32, #tpu.memory_space<vmem>> -> memref<128xi32, #tpu.memory_space<vmem>>
      %dma_start3A_39 = arith.constant 0 : i32
      %dma_start3A_40 = arith.constant 0 : i32
      %dma_start3A_41 = tpu.memref_slice %arg10[%dma_start3A_39, %dma_start3A_40] : memref<3072x128xf32, #tpu.memory_space<vmem_shared>> -> memref<3072x128xf32, #tpu.memory_space<vmem_shared>>
      tpu.enqueue_indirect_dma source(%dma_start3A_35 : memref<128x128xf32, #tpu.memory_space<vmem>>) target(%dma_start3A_41 : memref<3072x128xf32, #tpu.memory_space<vmem_shared>>) offsets(%dma_start3A_38 : memref<128xi32, #tpu.memory_space<vmem>>) semaphore(%run_scoped3A_33 : memref<!tpu.dma_semaphore, #tpu.memory_space<semaphore_mem>>) {add = true}
      %dma_wait3A = arith.constant 128 : i32
      %dma_wait3A_42 = arith.constant 0 : i32
      %dma_wait3A_43 = tpu.memref_slice %arg8[%dma_wait3A, %dma_wait3A_42] : memref<768x128xf32, #tpu.memory_space<vmem>> -> memref<128x128xf32, #tpu.memory_space<vmem>>
      %dma_wait3A_44 = arith.constant 0 : i32
      %dma_wait3A_45 = tpu.memref_slice %arg9[%run_scoped3A_12, %dma_wait3A_44] : memref<8x128xi32, #tpu.memory_space<vmem>> -> memref<1x128xi32, #tpu.memory_space<vmem>>
      %dma_wait3A_46 = tpu.memref_squeeze %dma_wait3A_45 : memref<1x128xi32, #tpu.memory_space<vmem>> -> memref<128xi32, #tpu.memory_space<vmem>>
      %dma_wait3A_47 = arith.constant 0 : i32
      %dma_wait3A_48 = arith.constant 0 : i32
      %dma_wait3A_49 = tpu.memref_slice %arg10[%dma_wait3A_47, %dma_wait3A_48] : memref<3072x128xf32, #tpu.memory_space<vmem_shared>> -> memref<3072x128xf32, #tpu.memory_space<vmem_shared>>
      tpu.wait_indirect_dma semaphore(%run_scoped3A_33 : memref<!tpu.dma_semaphore, #tpu.memory_space<semaphore_mem>>) src(%dma_wait3A_43 : memref<128x128xf32, #tpu.memory_space<vmem>>) dst(%dma_wait3A_49 : memref<3072x128xf32, #tpu.memory_space<vmem_shared>>)
      tpu.yield
    }) : () -> ()
    %run_scoped3A_13 = arith.constant 2 : i32
    "tpu.region"() ({
      %run_scoped3A_33 = tpu.sem_alloc : memref<!tpu.dma_semaphore, #tpu.memory_space<semaphore_mem>>
      %dma_start3A = arith.constant 256 : i32
      %dma_start3A_34 = arith.constant 0 : i32
      %dma_start3A_35 = tpu.memref_slice %arg8[%dma_start3A, %dma_start3A_34] : memref<768x128xf32, #tpu.memory_space<vmem>> -> memref<128x128xf32, #tpu.memory_space<vmem>>
      %dma_start3A_36 = arith.constant 0 : i32
      %dma_start3A_37 = tpu.memref_slice %arg9[%run_scoped3A_13, %dma_start3A_36] : memref<8x128xi32, #tpu.memory_space<vmem>> -> memref<1x128xi32, #tpu.memory_space<vmem>>
      %dma_start3A_38 = tpu.memref_squeeze %dma_start3A_37 : memref<1x128xi32, #tpu.memory_space<vmem>> -> memref<128xi32, #tpu.memory_space<vmem>>
      %dma_start3A_39 = arith.constant 0 : i32
      %dma_start3A_40 = arith.constant 0 : i32
      %dma_start3A_41 = tpu.memref_slice %arg10[%dma_start3A_39, %dma_start3A_40] : memref<3072x128xf32, #tpu.memory_space<vmem_shared>> -> memref<3072x128xf32, #tpu.memory_space<vmem_shared>>
      tpu.enqueue_indirect_dma source(%dma_start3A_35 : memref<128x128xf32, #tpu.memory_space<vmem>>) target(%dma_start3A_41 : memref<3072x128xf32, #tpu.memory_space<vmem_shared>>) offsets(%dma_start3A_38 : memref<128xi32, #tpu.memory_space<vmem>>) semaphore(%run_scoped3A_33 : memref<!tpu.dma_semaphore, #tpu.memory_space<semaphore_mem>>) {add = true}
      %dma_wait3A = arith.constant 256 : i32
      %dma_wait3A_42 = arith.constant 0 : i32
      %dma_wait3A_43 = tpu.memref_slice %arg8[%dma_wait3A, %dma_wait3A_42] : memref<768x128xf32, #tpu.memory_space<vmem>> -> memref<128x128xf32, #tpu.memory_space<vmem>>
      %dma_wait3A_44 = arith.constant 0 : i32
      %dma_wait3A_45 = tpu.memref_slice %arg9[%run_scoped3A_13, %dma_wait3A_44] : memref<8x128xi32, #tpu.memory_space<vmem>> -> memref<1x128xi32, #tpu.memory_space<vmem>>
      %dma_wait3A_46 = tpu.memref_squeeze %dma_wait3A_45 : memref<1x128xi32, #tpu.memory_space<vmem>> -> memref<128xi32, #tpu.memory_space<vmem>>
      %dma_wait3A_47 = arith.constant 0 : i32
      %dma_wait3A_48 = arith.constant 0 : i32
      %dma_wait3A_49 = tpu.memref_slice %arg10[%dma_wait3A_47, %dma_wait3A_48] : memref<3072x128xf32, #tpu.memory_space<vmem_shared>> -> memref<3072x128xf32, #tpu.memory_space<vmem_shared>>
      tpu.wait_indirect_dma semaphore(%run_scoped3A_33 : memref<!tpu.dma_semaphore, #tpu.memory_space<semaphore_mem>>) src(%dma_wait3A_43 : memref<128x128xf32, #tpu.memory_space<vmem>>) dst(%dma_wait3A_49 : memref<3072x128xf32, #tpu.memory_space<vmem_shared>>)
      tpu.yield
    }) : () -> ()
    %run_scoped3A_14 = arith.constant 3 : i32
    "tpu.region"() ({
      %run_scoped3A_33 = tpu.sem_alloc : memref<!tpu.dma_semaphore, #tpu.memory_space<semaphore_mem>>
      %dma_start3A = arith.constant 384 : i32
      %dma_start3A_34 = arith.constant 0 : i32
      %dma_start3A_35 = tpu.memref_slice %arg8[%dma_start3A, %dma_start3A_34] : memref<768x128xf32, #tpu.memory_space<vmem>> -> memref<128x128xf32, #tpu.memory_space<vmem>>
      %dma_start3A_36 = arith.constant 0 : i32
      %dma_start3A_37 = tpu.memref_slice %arg9[%run_scoped3A_14, %dma_start3A_36] : memref<8x128xi32, #tpu.memory_space<vmem>> -> memref<1x128xi32, #tpu.memory_space<vmem>>
      %dma_start3A_38 = tpu.memref_squeeze %dma_start3A_37 : memref<1x128xi32, #tpu.memory_space<vmem>> -> memref<128xi32, #tpu.memory_space<vmem>>
      %dma_start3A_39 = arith.constant 0 : i32
      %dma_start3A_40 = arith.constant 0 : i32
      %dma_start3A_41 = tpu.memref_slice %arg10[%dma_start3A_39, %dma_start3A_40] : memref<3072x128xf32, #tpu.memory_space<vmem_shared>> -> memref<3072x128xf32, #tpu.memory_space<vmem_shared>>
      tpu.enqueue_indirect_dma source(%dma_start3A_35 : memref<128x128xf32, #tpu.memory_space<vmem>>) target(%dma_start3A_41 : memref<3072x128xf32, #tpu.memory_space<vmem_shared>>) offsets(%dma_start3A_38 : memref<128xi32, #tpu.memory_space<vmem>>) semaphore(%run_scoped3A_33 : memref<!tpu.dma_semaphore, #tpu.memory_space<semaphore_mem>>) {add = true}
      %dma_wait3A = arith.constant 384 : i32
      %dma_wait3A_42 = arith.constant 0 : i32
      %dma_wait3A_43 = tpu.memref_slice %arg8[%dma_wait3A, %dma_wait3A_42] : memref<768x128xf32, #tpu.memory_space<vmem>> -> memref<128x128xf32, #tpu.memory_space<vmem>>
      %dma_wait3A_44 = arith.constant 0 : i32
      %dma_wait3A_45 = tpu.memref_slice %arg9[%run_scoped3A_14, %dma_wait3A_44] : memref<8x128xi32, #tpu.memory_space<vmem>> -> memref<1x128xi32, #tpu.memory_space<vmem>>
      %dma_wait3A_46 = tpu.memref_squeeze %dma_wait3A_45 : memref<1x128xi32, #tpu.memory_space<vmem>> -> memref<128xi32, #tpu.memory_space<vmem>>
      %dma_wait3A_47 = arith.constant 0 : i32
      %dma_wait3A_48 = arith.constant 0 : i32
      %dma_wait3A_49 = tpu.memref_slice %arg10[%dma_wait3A_47, %dma_wait3A_48] : memref<3072x128xf32, #tpu.memory_space<vmem_shared>> -> memref<3072x128xf32, #tpu.memory_space<vmem_shared>>
      tpu.wait_indirect_dma semaphore(%run_scoped3A_33 : memref<!tpu.dma_semaphore, #tpu.memory_space<semaphore_mem>>) src(%dma_wait3A_43 : memref<128x128xf32, #tpu.memory_space<vmem>>) dst(%dma_wait3A_49 : memref<3072x128xf32, #tpu.memory_space<vmem_shared>>)
      tpu.yield
    }) : () -> ()
    %run_scoped3A_15 = arith.constant 4 : i32
    "tpu.region"() ({
      %run_scoped3A_33 = tpu.sem_alloc : memref<!tpu.dma_semaphore, #tpu.memory_space<semaphore_mem>>
      %dma_start3A = arith.constant 512 : i32
      %dma_start3A_34 = arith.constant 0 : i32
      %dma_start3A_35 = tpu.memref_slice %arg8[%dma_start3A, %dma_start3A_34] : memref<768x128xf32, #tpu.memory_space<vmem>> -> memref<128x128xf32, #tpu.memory_space<vmem>>
      %dma_start3A_36 = arith.constant 0 : i32
      %dma_start3A_37 = tpu.memref_slice %arg9[%run_scoped3A_15, %dma_start3A_36] : memref<8x128xi32, #tpu.memory_space<vmem>> -> memref<1x128xi32, #tpu.memory_space<vmem>>
      %dma_start3A_38 = tpu.memref_squeeze %dma_start3A_37 : memref<1x128xi32, #tpu.memory_space<vmem>> -> memref<128xi32, #tpu.memory_space<vmem>>
      %dma_start3A_39 = arith.constant 0 : i32
      %dma_start3A_40 = arith.constant 0 : i32
      %dma_start3A_41 = tpu.memref_slice %arg10[%dma_start3A_39, %dma_start3A_40] : memref<3072x128xf32, #tpu.memory_space<vmem_shared>> -> memref<3072x128xf32, #tpu.memory_space<vmem_shared>>
      tpu.enqueue_indirect_dma source(%dma_start3A_35 : memref<128x128xf32, #tpu.memory_space<vmem>>) target(%dma_start3A_41 : memref<3072x128xf32, #tpu.memory_space<vmem_shared>>) offsets(%dma_start3A_38 : memref<128xi32, #tpu.memory_space<vmem>>) semaphore(%run_scoped3A_33 : memref<!tpu.dma_semaphore, #tpu.memory_space<semaphore_mem>>) {add = true}
      %dma_wait3A = arith.constant 512 : i32
      %dma_wait3A_42 = arith.constant 0 : i32
      %dma_wait3A_43 = tpu.memref_slice %arg8[%dma_wait3A, %dma_wait3A_42] : memref<768x128xf32, #tpu.memory_space<vmem>> -> memref<128x128xf32, #tpu.memory_space<vmem>>
      %dma_wait3A_44 = arith.constant 0 : i32
      %dma_wait3A_45 = tpu.memref_slice %arg9[%run_scoped3A_15, %dma_wait3A_44] : memref<8x128xi32, #tpu.memory_space<vmem>> -> memref<1x128xi32, #tpu.memory_space<vmem>>
      %dma_wait3A_46 = tpu.memref_squeeze %dma_wait3A_45 : memref<1x128xi32, #tpu.memory_space<vmem>> -> memref<128xi32, #tpu.memory_space<vmem>>
      %dma_wait3A_47 = arith.constant 0 : i32
      %dma_wait3A_48 = arith.constant 0 : i32
      %dma_wait3A_49 = tpu.memref_slice %arg10[%dma_wait3A_47, %dma_wait3A_48] : memref<3072x128xf32, #tpu.memory_space<vmem_shared>> -> memref<3072x128xf32, #tpu.memory_space<vmem_shared>>
      tpu.wait_indirect_dma semaphore(%run_scoped3A_33 : memref<!tpu.dma_semaphore, #tpu.memory_space<semaphore_mem>>) src(%dma_wait3A_43 : memref<128x128xf32, #tpu.memory_space<vmem>>) dst(%dma_wait3A_49 : memref<3072x128xf32, #tpu.memory_space<vmem_shared>>)
      tpu.yield
    }) : () -> ()
    %run_scoped3A_16 = arith.constant 5 : i32
    "tpu.region"() ({
      %run_scoped3A_33 = tpu.sem_alloc : memref<!tpu.dma_semaphore, #tpu.memory_space<semaphore_mem>>
      %dma_start3A = arith.constant 640 : i32
      %dma_start3A_34 = arith.constant 0 : i32
      %dma_start3A_35 = tpu.memref_slice %arg8[%dma_start3A, %dma_start3A_34] : memref<768x128xf32, #tpu.memory_space<vmem>> -> memref<128x128xf32, #tpu.memory_space<vmem>>
      %dma_start3A_36 = arith.constant 0 : i32
      %dma_start3A_37 = tpu.memref_slice %arg9[%run_scoped3A_16, %dma_start3A_36] : memref<8x128xi32, #tpu.memory_space<vmem>> -> memref<1x128xi32, #tpu.memory_space<vmem>>
      %dma_start3A_38 = tpu.memref_squeeze %dma_start3A_37 : memref<1x128xi32, #tpu.memory_space<vmem>> -> memref<128xi32, #tpu.memory_space<vmem>>
      %dma_start3A_39 = arith.constant 0 : i32
      %dma_start3A_40 = arith.constant 0 : i32
      %dma_start3A_41 = tpu.memref_slice %arg10[%dma_start3A_39, %dma_start3A_40] : memref<3072x128xf32, #tpu.memory_space<vmem_shared>> -> memref<3072x128xf32, #tpu.memory_space<vmem_shared>>
      tpu.enqueue_indirect_dma source(%dma_start3A_35 : memref<128x128xf32, #tpu.memory_space<vmem>>) target(%dma_start3A_41 : memref<3072x128xf32, #tpu.memory_space<vmem_shared>>) offsets(%dma_start3A_38 : memref<128xi32, #tpu.memory_space<vmem>>) semaphore(%run_scoped3A_33 : memref<!tpu.dma_semaphore, #tpu.memory_space<semaphore_mem>>) {add = true}
      %dma_wait3A = arith.constant 640 : i32
      %dma_wait3A_42 = arith.constant 0 : i32
      %dma_wait3A_43 = tpu.memref_slice %arg8[%dma_wait3A, %dma_wait3A_42] : memref<768x128xf32, #tpu.memory_space<vmem>> -> memref<128x128xf32, #tpu.memory_space<vmem>>
      %dma_wait3A_44 = arith.constant 0 : i32
      %dma_wait3A_45 = tpu.memref_slice %arg9[%run_scoped3A_16, %dma_wait3A_44] : memref<8x128xi32, #tpu.memory_space<vmem>> -> memref<1x128xi32, #tpu.memory_space<vmem>>
      %dma_wait3A_46 = tpu.memref_squeeze %dma_wait3A_45 : memref<1x128xi32, #tpu.memory_space<vmem>> -> memref<128xi32, #tpu.memory_space<vmem>>
      %dma_wait3A_47 = arith.constant 0 : i32
      %dma_wait3A_48 = arith.constant 0 : i32
      %dma_wait3A_49 = tpu.memref_slice %arg10[%dma_wait3A_47, %dma_wait3A_48] : memref<3072x128xf32, #tpu.memory_space<vmem_shared>> -> memref<3072x128xf32, #tpu.memory_space<vmem_shared>>
      tpu.wait_indirect_dma semaphore(%run_scoped3A_33 : memref<!tpu.dma_semaphore, #tpu.memory_space<semaphore_mem>>) src(%dma_wait3A_43 : memref<128x128xf32, #tpu.memory_space<vmem>>) dst(%dma_wait3A_49 : memref<3072x128xf32, #tpu.memory_space<vmem_shared>>)
      tpu.yield
    }) : () -> ()
    %mul3A_17 = arith.constant 8 : i32
    %mul3A_18 = arith.muli %add3A_9, %mul3A_17 : i32
    "tpu.region"() ({
      %run_scoped3A_33 = tpu.sem_alloc : memref<!tpu.dma_semaphore, #tpu.memory_space<semaphore_mem>>
      %dma_start3A = arith.constant 0 : i32
      %dma_start3A_34 = tpu.memref_slice %arg5[%mul3A_18, %dma_start3A] : memref<256x128xi32, #tpu.memory_space<hbm>> -> memref<8x128xi32, #tpu.memory_space<hbm>>
      %dma_start3A_35 = arith.constant 0 : i32
      %dma_start3A_36 = tpu.memref_slice %arg5[%mul3A_18, %dma_start3A_35] : memref<256x128xi32, #tpu.memory_space<hbm>> -> memref<8x128xi32, #tpu.memory_space<hbm>>
      tpu.enqueue_dma source(%dma_start3A_36 : memref<8x128xi32, #tpu.memory_space<hbm>>) target(%arg9 : memref<8x128xi32, #tpu.memory_space<vmem>>) target_semaphore(%run_scoped3A_33 : memref<!tpu.dma_semaphore, #tpu.memory_space<semaphore_mem>>)
      %dma_wait3A = arith.constant 0 : i32
      %dma_wait3A_37 = tpu.memref_slice %arg5[%mul3A_18, %dma_wait3A] : memref<256x128xi32, #tpu.memory_space<hbm>> -> memref<8x128xi32, #tpu.memory_space<hbm>>
      %dma_wait3A_38 = arith.constant 0 : i32
      %dma_wait3A_39 = tpu.memref_slice %arg5[%mul3A_18, %dma_wait3A_38] : memref<256x128xi32, #tpu.memory_space<hbm>> -> memref<8x128xi32, #tpu.memory_space<hbm>>
      tpu.wait_dma2 semaphore(%run_scoped3A_33 : memref<!tpu.dma_semaphore, #tpu.memory_space<semaphore_mem>>) src(%dma_wait3A_39 : memref<8x128xi32, #tpu.memory_space<hbm>>) dst(%arg9 : memref<8x128xi32, #tpu.memory_space<vmem>>)
      tpu.yield
    }) : () -> ()
    "tpu.region"() ({
      %run_scoped3A_33 = tpu.sem_alloc : memref<!tpu.dma_semaphore, #tpu.memory_space<semaphore_mem>>
      %dma_start3A = arith.constant 0 : i32
      %dma_start3A_34 = tpu.memref_slice %arg3[%add3A, %dma_start3A] : memref<24576x128xf32, #tpu.memory_space<hbm>> -> memref<768x128xf32, #tpu.memory_space<hbm>>
      %dma_start3A_35 = arith.constant 0 : i32
      %dma_start3A_36 = tpu.memref_slice %arg3[%add3A, %dma_start3A_35] : memref<24576x128xf32, #tpu.memory_space<hbm>> -> memref<768x128xf32, #tpu.memory_space<hbm>>
      tpu.enqueue_dma source(%dma_start3A_36 : memref<768x128xf32, #tpu.memory_space<hbm>>) target(%arg8 : memref<768x128xf32, #tpu.memory_space<vmem>>) target_semaphore(%run_scoped3A_33 : memref<!tpu.dma_semaphore, #tpu.memory_space<semaphore_mem>>)
      %dma_wait3A = arith.constant 0 : i32
      %dma_wait3A_37 = tpu.memref_slice %arg3[%add3A, %dma_wait3A] : memref<24576x128xf32, #tpu.memory_space<hbm>> -> memref<768x128xf32, #tpu.memory_space<hbm>>
      %dma_wait3A_38 = arith.constant 0 : i32
      %dma_wait3A_39 = tpu.memref_slice %arg3[%add3A, %dma_wait3A_38] : memref<24576x128xf32, #tpu.memory_space<hbm>> -> memref<768x128xf32, #tpu.memory_space<hbm>>
      tpu.wait_dma2 semaphore(%run_scoped3A_33 : memref<!tpu.dma_semaphore, #tpu.memory_space<semaphore_mem>>) src(%dma_wait3A_39 : memref<768x128xf32, #tpu.memory_space<hbm>>) dst(%arg8 : memref<768x128xf32, #tpu.memory_space<vmem>>)
      tpu.yield
    }) : () -> ()
    %run_scoped3A_19 = arith.constant 0 : i32
    "tpu.region"() ({
      %run_scoped3A_33 = tpu.sem_alloc : memref<!tpu.dma_semaphore, #tpu.memory_space<semaphore_mem>>
      %dma_start3A = arith.constant 0 : i32
      %dma_start3A_34 = arith.constant 0 : i32
      %dma_start3A_35 = tpu.memref_slice %arg8[%dma_start3A, %dma_start3A_34] : memref<768x128xf32, #tpu.memory_space<vmem>> -> memref<128x128xf32, #tpu.memory_space<vmem>>
      %dma_start3A_36 = arith.constant 0 : i32
      %dma_start3A_37 = tpu.memref_slice %arg9[%run_scoped3A_19, %dma_start3A_36] : memref<8x128xi32, #tpu.memory_space<vmem>> -> memref<1x128xi32, #tpu.memory_space<vmem>>
      %dma_start3A_38 = tpu.memref_squeeze %dma_start3A_37 : memref<1x128xi32, #tpu.memory_space<vmem>> -> memref<128xi32, #tpu.memory_space<vmem>>
      %dma_start3A_39 = arith.constant 0 : i32
      %dma_start3A_40 = arith.constant 0 : i32
      %dma_start3A_41 = tpu.memref_slice %arg10[%dma_start3A_39, %dma_start3A_40] : memref<3072x128xf32, #tpu.memory_space<vmem_shared>> -> memref<3072x128xf32, #tpu.memory_space<vmem_shared>>
      tpu.enqueue_indirect_dma source(%dma_start3A_35 : memref<128x128xf32, #tpu.memory_space<vmem>>) target(%dma_start3A_41 : memref<3072x128xf32, #tpu.memory_space<vmem_shared>>) offsets(%dma_start3A_38 : memref<128xi32, #tpu.memory_space<vmem>>) semaphore(%run_scoped3A_33 : memref<!tpu.dma_semaphore, #tpu.memory_space<semaphore_mem>>) {add = true}
      %dma_wait3A = arith.constant 0 : i32
      %dma_wait3A_42 = arith.constant 0 : i32
      %dma_wait3A_43 = tpu.memref_slice %arg8[%dma_wait3A, %dma_wait3A_42] : memref<768x128xf32, #tpu.memory_space<vmem>> -> memref<128x128xf32, #tpu.memory_space<vmem>>
      %dma_wait3A_44 = arith.constant 0 : i32
      %dma_wait3A_45 = tpu.memref_slice %arg9[%run_scoped3A_19, %dma_wait3A_44] : memref<8x128xi32, #tpu.memory_space<vmem>> -> memref<1x128xi32, #tpu.memory_space<vmem>>
      %dma_wait3A_46 = tpu.memref_squeeze %dma_wait3A_45 : memref<1x128xi32, #tpu.memory_space<vmem>> -> memref<128xi32, #tpu.memory_space<vmem>>
      %dma_wait3A_47 = arith.constant 0 : i32
      %dma_wait3A_48 = arith.constant 0 : i32
      %dma_wait3A_49 = tpu.memref_slice %arg10[%dma_wait3A_47, %dma_wait3A_48] : memref<3072x128xf32, #tpu.memory_space<vmem_shared>> -> memref<3072x128xf32, #tpu.memory_space<vmem_shared>>
      tpu.wait_indirect_dma semaphore(%run_scoped3A_33 : memref<!tpu.dma_semaphore, #tpu.memory_space<semaphore_mem>>) src(%dma_wait3A_43 : memref<128x128xf32, #tpu.memory_space<vmem>>) dst(%dma_wait3A_49 : memref<3072x128xf32, #tpu.memory_space<vmem_shared>>)
      tpu.yield
    }) : () -> ()
    %run_scoped3A_20 = arith.constant 1 : i32
    "tpu.region"() ({
      %run_scoped3A_33 = tpu.sem_alloc : memref<!tpu.dma_semaphore, #tpu.memory_space<semaphore_mem>>
      %dma_start3A = arith.constant 128 : i32
      %dma_start3A_34 = arith.constant 0 : i32
      %dma_start3A_35 = tpu.memref_slice %arg8[%dma_start3A, %dma_start3A_34] : memref<768x128xf32, #tpu.memory_space<vmem>> -> memref<128x128xf32, #tpu.memory_space<vmem>>
      %dma_start3A_36 = arith.constant 0 : i32
      %dma_start3A_37 = tpu.memref_slice %arg9[%run_scoped3A_20, %dma_start3A_36] : memref<8x128xi32, #tpu.memory_space<vmem>> -> memref<1x128xi32, #tpu.memory_space<vmem>>
      %dma_start3A_38 = tpu.memref_squeeze %dma_start3A_37 : memref<1x128xi32, #tpu.memory_space<vmem>> -> memref<128xi32, #tpu.memory_space<vmem>>
      %dma_start3A_39 = arith.constant 0 : i32
      %dma_start3A_40 = arith.constant 0 : i32
      %dma_start3A_41 = tpu.memref_slice %arg10[%dma_start3A_39, %dma_start3A_40] : memref<3072x128xf32, #tpu.memory_space<vmem_shared>> -> memref<3072x128xf32, #tpu.memory_space<vmem_shared>>
      tpu.enqueue_indirect_dma source(%dma_start3A_35 : memref<128x128xf32, #tpu.memory_space<vmem>>) target(%dma_start3A_41 : memref<3072x128xf32, #tpu.memory_space<vmem_shared>>) offsets(%dma_start3A_38 : memref<128xi32, #tpu.memory_space<vmem>>) semaphore(%run_scoped3A_33 : memref<!tpu.dma_semaphore, #tpu.memory_space<semaphore_mem>>) {add = true}
      %dma_wait3A = arith.constant 128 : i32
      %dma_wait3A_42 = arith.constant 0 : i32
      %dma_wait3A_43 = tpu.memref_slice %arg8[%dma_wait3A, %dma_wait3A_42] : memref<768x128xf32, #tpu.memory_space<vmem>> -> memref<128x128xf32, #tpu.memory_space<vmem>>
      %dma_wait3A_44 = arith.constant 0 : i32
      %dma_wait3A_45 = tpu.memref_slice %arg9[%run_scoped3A_20, %dma_wait3A_44] : memref<8x128xi32, #tpu.memory_space<vmem>> -> memref<1x128xi32, #tpu.memory_space<vmem>>
      %dma_wait3A_46 = tpu.memref_squeeze %dma_wait3A_45 : memref<1x128xi32, #tpu.memory_space<vmem>> -> memref<128xi32, #tpu.memory_space<vmem>>
      %dma_wait3A_47 = arith.constant 0 : i32
      %dma_wait3A_48 = arith.constant 0 : i32
      %dma_wait3A_49 = tpu.memref_slice %arg10[%dma_wait3A_47, %dma_wait3A_48] : memref<3072x128xf32, #tpu.memory_space<vmem_shared>> -> memref<3072x128xf32, #tpu.memory_space<vmem_shared>>
      tpu.wait_indirect_dma semaphore(%run_scoped3A_33 : memref<!tpu.dma_semaphore, #tpu.memory_space<semaphore_mem>>) src(%dma_wait3A_43 : memref<128x128xf32, #tpu.memory_space<vmem>>) dst(%dma_wait3A_49 : memref<3072x128xf32, #tpu.memory_space<vmem_shared>>)
      tpu.yield
    }) : () -> ()
    %run_scoped3A_21 = arith.constant 2 : i32
    "tpu.region"() ({
      %run_scoped3A_33 = tpu.sem_alloc : memref<!tpu.dma_semaphore, #tpu.memory_space<semaphore_mem>>
      %dma_start3A = arith.constant 256 : i32
      %dma_start3A_34 = arith.constant 0 : i32
      %dma_start3A_35 = tpu.memref_slice %arg8[%dma_start3A, %dma_start3A_34] : memref<768x128xf32, #tpu.memory_space<vmem>> -> memref<128x128xf32, #tpu.memory_space<vmem>>
      %dma_start3A_36 = arith.constant 0 : i32
      %dma_start3A_37 = tpu.memref_slice %arg9[%run_scoped3A_21, %dma_start3A_36] : memref<8x128xi32, #tpu.memory_space<vmem>> -> memref<1x128xi32, #tpu.memory_space<vmem>>
      %dma_start3A_38 = tpu.memref_squeeze %dma_start3A_37 : memref<1x128xi32, #tpu.memory_space<vmem>> -> memref<128xi32, #tpu.memory_space<vmem>>
      %dma_start3A_39 = arith.constant 0 : i32
      %dma_start3A_40 = arith.constant 0 : i32
      %dma_start3A_41 = tpu.memref_slice %arg10[%dma_start3A_39, %dma_start3A_40] : memref<3072x128xf32, #tpu.memory_space<vmem_shared>> -> memref<3072x128xf32, #tpu.memory_space<vmem_shared>>
      tpu.enqueue_indirect_dma source(%dma_start3A_35 : memref<128x128xf32, #tpu.memory_space<vmem>>) target(%dma_start3A_41 : memref<3072x128xf32, #tpu.memory_space<vmem_shared>>) offsets(%dma_start3A_38 : memref<128xi32, #tpu.memory_space<vmem>>) semaphore(%run_scoped3A_33 : memref<!tpu.dma_semaphore, #tpu.memory_space<semaphore_mem>>) {add = true}
      %dma_wait3A = arith.constant 256 : i32
      %dma_wait3A_42 = arith.constant 0 : i32
      %dma_wait3A_43 = tpu.memref_slice %arg8[%dma_wait3A, %dma_wait3A_42] : memref<768x128xf32, #tpu.memory_space<vmem>> -> memref<128x128xf32, #tpu.memory_space<vmem>>
      %dma_wait3A_44 = arith.constant 0 : i32
      %dma_wait3A_45 = tpu.memref_slice %arg9[%run_scoped3A_21, %dma_wait3A_44] : memref<8x128xi32, #tpu.memory_space<vmem>> -> memref<1x128xi32, #tpu.memory_space<vmem>>
      %dma_wait3A_46 = tpu.memref_squeeze %dma_wait3A_45 : memref<1x128xi32, #tpu.memory_space<vmem>> -> memref<128xi32, #tpu.memory_space<vmem>>
      %dma_wait3A_47 = arith.constant 0 : i32
      %dma_wait3A_48 = arith.constant 0 : i32
      %dma_wait3A_49 = tpu.memref_slice %arg10[%dma_wait3A_47, %dma_wait3A_48] : memref<3072x128xf32, #tpu.memory_space<vmem_shared>> -> memref<3072x128xf32, #tpu.memory_space<vmem_shared>>
      tpu.wait_indirect_dma semaphore(%run_scoped3A_33 : memref<!tpu.dma_semaphore, #tpu.memory_space<semaphore_mem>>) src(%dma_wait3A_43 : memref<128x128xf32, #tpu.memory_space<vmem>>) dst(%dma_wait3A_49 : memref<3072x128xf32, #tpu.memory_space<vmem_shared>>)
      tpu.yield
    }) : () -> ()
    %run_scoped3A_22 = arith.constant 3 : i32
    "tpu.region"() ({
      %run_scoped3A_33 = tpu.sem_alloc : memref<!tpu.dma_semaphore, #tpu.memory_space<semaphore_mem>>
      %dma_start3A = arith.constant 384 : i32
      %dma_start3A_34 = arith.constant 0 : i32
      %dma_start3A_35 = tpu.memref_slice %arg8[%dma_start3A, %dma_start3A_34] : memref<768x128xf32, #tpu.memory_space<vmem>> -> memref<128x128xf32, #tpu.memory_space<vmem>>
      %dma_start3A_36 = arith.constant 0 : i32
      %dma_start3A_37 = tpu.memref_slice %arg9[%run_scoped3A_22, %dma_start3A_36] : memref<8x128xi32, #tpu.memory_space<vmem>> -> memref<1x128xi32, #tpu.memory_space<vmem>>
      %dma_start3A_38 = tpu.memref_squeeze %dma_start3A_37 : memref<1x128xi32, #tpu.memory_space<vmem>> -> memref<128xi32, #tpu.memory_space<vmem>>
      %dma_start3A_39 = arith.constant 0 : i32
      %dma_start3A_40 = arith.constant 0 : i32
      %dma_start3A_41 = tpu.memref_slice %arg10[%dma_start3A_39, %dma_start3A_40] : memref<3072x128xf32, #tpu.memory_space<vmem_shared>> -> memref<3072x128xf32, #tpu.memory_space<vmem_shared>>
      tpu.enqueue_indirect_dma source(%dma_start3A_35 : memref<128x128xf32, #tpu.memory_space<vmem>>) target(%dma_start3A_41 : memref<3072x128xf32, #tpu.memory_space<vmem_shared>>) offsets(%dma_start3A_38 : memref<128xi32, #tpu.memory_space<vmem>>) semaphore(%run_scoped3A_33 : memref<!tpu.dma_semaphore, #tpu.memory_space<semaphore_mem>>) {add = true}
      %dma_wait3A = arith.constant 384 : i32
      %dma_wait3A_42 = arith.constant 0 : i32
      %dma_wait3A_43 = tpu.memref_slice %arg8[%dma_wait3A, %dma_wait3A_42] : memref<768x128xf32, #tpu.memory_space<vmem>> -> memref<128x128xf32, #tpu.memory_space<vmem>>
      %dma_wait3A_44 = arith.constant 0 : i32
      %dma_wait3A_45 = tpu.memref_slice %arg9[%run_scoped3A_22, %dma_wait3A_44] : memref<8x128xi32, #tpu.memory_space<vmem>> -> memref<1x128xi32, #tpu.memory_space<vmem>>
      %dma_wait3A_46 = tpu.memref_squeeze %dma_wait3A_45 : memref<1x128xi32, #tpu.memory_space<vmem>> -> memref<128xi32, #tpu.memory_space<vmem>>
      %dma_wait3A_47 = arith.constant 0 : i32
      %dma_wait3A_48 = arith.constant 0 : i32
      %dma_wait3A_49 = tpu.memref_slice %arg10[%dma_wait3A_47, %dma_wait3A_48] : memref<3072x128xf32, #tpu.memory_space<vmem_shared>> -> memref<3072x128xf32, #tpu.memory_space<vmem_shared>>
      tpu.wait_indirect_dma semaphore(%run_scoped3A_33 : memref<!tpu.dma_semaphore, #tpu.memory_space<semaphore_mem>>) src(%dma_wait3A_43 : memref<128x128xf32, #tpu.memory_space<vmem>>) dst(%dma_wait3A_49 : memref<3072x128xf32, #tpu.memory_space<vmem_shared>>)
      tpu.yield
    }) : () -> ()
    %run_scoped3A_23 = arith.constant 4 : i32
    "tpu.region"() ({
      %run_scoped3A_33 = tpu.sem_alloc : memref<!tpu.dma_semaphore, #tpu.memory_space<semaphore_mem>>
      %dma_start3A = arith.constant 512 : i32
      %dma_start3A_34 = arith.constant 0 : i32
      %dma_start3A_35 = tpu.memref_slice %arg8[%dma_start3A, %dma_start3A_34] : memref<768x128xf32, #tpu.memory_space<vmem>> -> memref<128x128xf32, #tpu.memory_space<vmem>>
      %dma_start3A_36 = arith.constant 0 : i32
      %dma_start3A_37 = tpu.memref_slice %arg9[%run_scoped3A_23, %dma_start3A_36] : memref<8x128xi32, #tpu.memory_space<vmem>> -> memref<1x128xi32, #tpu.memory_space<vmem>>
      %dma_start3A_38 = tpu.memref_squeeze %dma_start3A_37 : memref<1x128xi32, #tpu.memory_space<vmem>> -> memref<128xi32, #tpu.memory_space<vmem>>
      %dma_start3A_39 = arith.constant 0 : i32
      %dma_start3A_40 = arith.constant 0 : i32
      %dma_start3A_41 = tpu.memref_slice %arg10[%dma_start3A_39, %dma_start3A_40] : memref<3072x128xf32, #tpu.memory_space<vmem_shared>> -> memref<3072x128xf32, #tpu.memory_space<vmem_shared>>
      tpu.enqueue_indirect_dma source(%dma_start3A_35 : memref<128x128xf32, #tpu.memory_space<vmem>>) target(%dma_start3A_41 : memref<3072x128xf32, #tpu.memory_space<vmem_shared>>) offsets(%dma_start3A_38 : memref<128xi32, #tpu.memory_space<vmem>>) semaphore(%run_scoped3A_33 : memref<!tpu.dma_semaphore, #tpu.memory_space<semaphore_mem>>) {add = true}
      %dma_wait3A = arith.constant 512 : i32
      %dma_wait3A_42 = arith.constant 0 : i32
      %dma_wait3A_43 = tpu.memref_slice %arg8[%dma_wait3A, %dma_wait3A_42] : memref<768x128xf32, #tpu.memory_space<vmem>> -> memref<128x128xf32, #tpu.memory_space<vmem>>
      %dma_wait3A_44 = arith.constant 0 : i32
      %dma_wait3A_45 = tpu.memref_slice %arg9[%run_scoped3A_23, %dma_wait3A_44] : memref<8x128xi32, #tpu.memory_space<vmem>> -> memref<1x128xi32, #tpu.memory_space<vmem>>
      %dma_wait3A_46 = tpu.memref_squeeze %dma_wait3A_45 : memref<1x128xi32, #tpu.memory_space<vmem>> -> memref<128xi32, #tpu.memory_space<vmem>>
      %dma_wait3A_47 = arith.constant 0 : i32
      %dma_wait3A_48 = arith.constant 0 : i32
      %dma_wait3A_49 = tpu.memref_slice %arg10[%dma_wait3A_47, %dma_wait3A_48] : memref<3072x128xf32, #tpu.memory_space<vmem_shared>> -> memref<3072x128xf32, #tpu.memory_space<vmem_shared>>
      tpu.wait_indirect_dma semaphore(%run_scoped3A_33 : memref<!tpu.dma_semaphore, #tpu.memory_space<semaphore_mem>>) src(%dma_wait3A_43 : memref<128x128xf32, #tpu.memory_space<vmem>>) dst(%dma_wait3A_49 : memref<3072x128xf32, #tpu.memory_space<vmem_shared>>)
      tpu.yield
    }) : () -> ()
    %run_scoped3A_24 = arith.constant 5 : i32
    "tpu.region"() ({
      %run_scoped3A_33 = tpu.sem_alloc : memref<!tpu.dma_semaphore, #tpu.memory_space<semaphore_mem>>
      %dma_start3A = arith.constant 640 : i32
      %dma_start3A_34 = arith.constant 0 : i32
      %dma_start3A_35 = tpu.memref_slice %arg8[%dma_start3A, %dma_start3A_34] : memref<768x128xf32, #tpu.memory_space<vmem>> -> memref<128x128xf32, #tpu.memory_space<vmem>>
      %dma_start3A_36 = arith.constant 0 : i32
      %dma_start3A_37 = tpu.memref_slice %arg9[%run_scoped3A_24, %dma_start3A_36] : memref<8x128xi32, #tpu.memory_space<vmem>> -> memref<1x128xi32, #tpu.memory_space<vmem>>
      %dma_start3A_38 = tpu.memref_squeeze %dma_start3A_37 : memref<1x128xi32, #tpu.memory_space<vmem>> -> memref<128xi32, #tpu.memory_space<vmem>>
      %dma_start3A_39 = arith.constant 0 : i32
      %dma_start3A_40 = arith.constant 0 : i32
      %dma_start3A_41 = tpu.memref_slice %arg10[%dma_start3A_39, %dma_start3A_40] : memref<3072x128xf32, #tpu.memory_space<vmem_shared>> -> memref<3072x128xf32, #tpu.memory_space<vmem_shared>>
      tpu.enqueue_indirect_dma source(%dma_start3A_35 : memref<128x128xf32, #tpu.memory_space<vmem>>) target(%dma_start3A_41 : memref<3072x128xf32, #tpu.memory_space<vmem_shared>>) offsets(%dma_start3A_38 : memref<128xi32, #tpu.memory_space<vmem>>) semaphore(%run_scoped3A_33 : memref<!tpu.dma_semaphore, #tpu.memory_space<semaphore_mem>>) {add = true}
      %dma_wait3A = arith.constant 640 : i32
      %dma_wait3A_42 = arith.constant 0 : i32
      %dma_wait3A_43 = tpu.memref_slice %arg8[%dma_wait3A, %dma_wait3A_42] : memref<768x128xf32, #tpu.memory_space<vmem>> -> memref<128x128xf32, #tpu.memory_space<vmem>>
      %dma_wait3A_44 = arith.constant 0 : i32
      %dma_wait3A_45 = tpu.memref_slice %arg9[%run_scoped3A_24, %dma_wait3A_44] : memref<8x128xi32, #tpu.memory_space<vmem>> -> memref<1x128xi32, #tpu.memory_space<vmem>>
      %dma_wait3A_46 = tpu.memref_squeeze %dma_wait3A_45 : memref<1x128xi32, #tpu.memory_space<vmem>> -> memref<128xi32, #tpu.memory_space<vmem>>
      %dma_wait3A_47 = arith.constant 0 : i32
      %dma_wait3A_48 = arith.constant 0 : i32
      %dma_wait3A_49 = tpu.memref_slice %arg10[%dma_wait3A_47, %dma_wait3A_48] : memref<3072x128xf32, #tpu.memory_space<vmem_shared>> -> memref<3072x128xf32, #tpu.memory_space<vmem_shared>>
      tpu.wait_indirect_dma semaphore(%run_scoped3A_33 : memref<!tpu.dma_semaphore, #tpu.memory_space<semaphore_mem>>) src(%dma_wait3A_43 : memref<128x128xf32, #tpu.memory_space<vmem>>) dst(%dma_wait3A_49 : memref<3072x128xf32, #tpu.memory_space<vmem_shared>>)
      tpu.yield
    }) : () -> ()
    %barrier3A_25 = arith.constant 0 : index
    tpu.barrier barrier_id(%barrier3A_25)
    %mul3A_26 = arith.constant 3072 : i32
    %mul3A_27 = arith.muli %arg0, %mul3A_26 : i32
    %mul3A_28 = arith.constant 192 : i32
    %mul3A_29 = arith.muli %arg1, %mul3A_28 : i32
    %add3A_30 = arith.addi %mul3A_27, %mul3A_29 : i32
    %mul3A_31 = arith.constant 192 : i32
    %mul3A_32 = arith.muli %arg1, %mul3A_31 : i32
    "tpu.region"() ({
      %run_scoped3A_33 = tpu.sem_alloc : memref<!tpu.dma_semaphore, #tpu.memory_space<semaphore_mem>>
      %dma_start3A = arith.constant 0 : i32
      %dma_start3A_34 = tpu.memref_slice %arg7[%add3A_30, %dma_start3A] : memref<6144x128xf32, #tpu.memory_space<hbm>> -> memref<192x128xf32, #tpu.memory_space<hbm>>
      %dma_start3A_35 = arith.constant 0 : i32
      %dma_start3A_36 = tpu.memref_slice %arg10[%mul3A_32, %dma_start3A_35] : memref<3072x128xf32, #tpu.memory_space<vmem_shared>> -> memref<192x128xf32, #tpu.memory_space<vmem_shared>>
      tpu.enqueue_dma source(%dma_start3A_36 : memref<192x128xf32, #tpu.memory_space<vmem_shared>>) target(%dma_start3A_34 : memref<192x128xf32, #tpu.memory_space<hbm>>) target_semaphore(%run_scoped3A_33 : memref<!tpu.dma_semaphore, #tpu.memory_space<semaphore_mem>>)
      %dma_wait3A = arith.constant 0 : i32
      %dma_wait3A_37 = tpu.memref_slice %arg7[%add3A_30, %dma_wait3A] : memref<6144x128xf32, #tpu.memory_space<hbm>> -> memref<192x128xf32, #tpu.memory_space<hbm>>
      %dma_wait3A_38 = arith.constant 0 : i32
      %dma_wait3A_39 = tpu.memref_slice %arg10[%mul3A_32, %dma_wait3A_38] : memref<3072x128xf32, #tpu.memory_space<vmem_shared>> -> memref<192x128xf32, #tpu.memory_space<vmem_shared>>
      tpu.wait_dma2 semaphore(%run_scoped3A_33 : memref<!tpu.dma_semaphore, #tpu.memory_space<semaphore_mem>>) src(%dma_wait3A_39 : memref<192x128xf32, #tpu.memory_space<vmem_shared>>) dst(%dma_wait3A_37 : memref<192x128xf32, #tpu.memory_space<hbm>>)
      tpu.yield
    }) : () -> ()
    return
  }
}

module attributes {stable_mosaic.version = 14 : i64} {
  func.func @_route_kernel(%arg0: i32, %arg1: memref<1x2048x64xf32, #tpu.memory_space<vmem>>, %arg2: memref<1x64x64xf32, #tpu.memory_space<vmem>>, %arg3: memref<1x1x64xf32, #tpu.memory_space<vmem>>, %arg4: memref<1x64x64xf32, #tpu.memory_space<vmem>>, %arg5: memref<1x1x64xf32, #tpu.memory_space<vmem>>, %arg6: memref<1x64x64xf32, #tpu.memory_space<vmem>>, %arg7: memref<1x1x64xf32, #tpu.memory_space<vmem>>, %arg8: memref<1x32x64xf32, #tpu.memory_space<vmem>>, %arg9: memref<1x2048x64xf32, #tpu.memory_space<vmem>>, %arg10: memref<1x2048x128xf32, #tpu.memory_space<vmem>>, %arg11: memref<1x2048x128xf32, #tpu.memory_space<vmem>>, %arg12: memref<1x2048x1xi32, #tpu.memory_space<vmem>>, %arg13: memref<1x2048x1xi32, #tpu.memory_space<vmem>>) attributes {dimension_semantics = [#tpu.dimension_semantics<parallel>], iteration_bounds = array<i64: 12>, scalar_prefetch = 0 : i64, scratch_operands = 0 : i64, tpu.core_type = #tpu.core_type<tc>, window_params = [{transform_indices = @transform_0, window_bounds = array<i64: 1, 2048, 64>}, {transform_indices = @transform_1, window_bounds = array<i64: 1, 64, 64>}, {transform_indices = @transform_2, window_bounds = array<i64: 1, 1, 64>}, {transform_indices = @transform_3, window_bounds = array<i64: 1, 64, 64>}, {transform_indices = @transform_4, window_bounds = array<i64: 1, 1, 64>}, {transform_indices = @transform_5, window_bounds = array<i64: 1, 64, 64>}, {transform_indices = @transform_6, window_bounds = array<i64: 1, 1, 64>}, {transform_indices = @transform_7, window_bounds = array<i64: 1, 32, 64>}, {transform_indices = @transform_8, window_bounds = array<i64: 1, 2048, 64>}, {transform_indices = @transform_9, window_bounds = array<i64: 1, 2048, 128>}, {transform_indices = @transform_10, window_bounds = array<i64: 1, 2048, 128>}, {transform_indices = @transform_11, window_bounds = array<i64: 1, 2048, 1>}, {transform_indices = @transform_12, window_bounds = array<i64: 1, 2048, 1>}]} {
    %get3A = arith.constant 0 : index
    %get3A_0 = arith.constant 0 : index
    %get3A_1 = arith.constant 0 : index
    %get3A_2 = vector.load %arg1[%get3A, %get3A_0, %get3A_1] : memref<1x2048x64xf32, #tpu.memory_space<vmem>>, vector<1x2048x64xf32>
    %get3A_3 = vector.shape_cast %get3A_2 : vector<1x2048x64xf32> to vector<2048x64xf32>
    %get3A_4 = arith.constant 0 : index
    %get3A_5 = arith.constant 0 : index
    %get3A_6 = arith.constant 0 : index
    %get3A_7 = vector.load %arg2[%get3A_4, %get3A_5, %get3A_6] : memref<1x64x64xf32, #tpu.memory_space<vmem>>, vector<1x64x64xf32>
    %get3A_8 = vector.shape_cast %get3A_7 : vector<1x64x64xf32> to vector<64x64xf32>
    %dot_general3A = arith.constant dense<0.000000e+00> : vector<2048x64xf32>
    %dot_general3A_9 = tpu.matmul %get3A_3, %get3A_8, %dot_general3A {dimension_numbers = #tpu.dot_dimension_numbers<[1], [0], [0], [1], [0, 0, 1, 1], [], []>, transpose_lhs_hint = false} : vector<2048x64xf32>, vector<64x64xf32>, vector<2048x64xf32> -> vector<2048x64xf32>
    %get3A_10 = arith.constant 0 : index
    %get3A_11 = arith.constant 0 : index
    %get3A_12 = arith.constant 0 : index
    %get3A_13 = vector.load %arg3[%get3A_10, %get3A_11, %get3A_12] : memref<1x1x64xf32, #tpu.memory_space<vmem>>, vector<1x1x64xf32>
    %get3A_14 = vector.shape_cast %get3A_13 : vector<1x1x64xf32> to vector<1x64xf32>
    %add3A = vector.broadcast %get3A_14 : vector<1x64xf32> to vector<2048x64xf32>
    %add3A_15 = arith.addf %dot_general3A_9, %add3A : vector<2048x64xf32>
    %get3A_16 = arith.constant 0 : index
    %get3A_17 = arith.constant 0 : index
    %get3A_18 = arith.constant 0 : index
    %get3A_19 = vector.load %arg4[%get3A_16, %get3A_17, %get3A_18] : memref<1x64x64xf32, #tpu.memory_space<vmem>>, vector<1x64x64xf32>
    %get3A_20 = vector.shape_cast %get3A_19 : vector<1x64x64xf32> to vector<64x64xf32>
    %dot_general3A_21 = arith.constant dense<0.000000e+00> : vector<2048x64xf32>
    %dot_general3A_22 = tpu.matmul %get3A_3, %get3A_20, %dot_general3A_21 {dimension_numbers = #tpu.dot_dimension_numbers<[1], [0], [0], [1], [0, 0, 1, 1], [], []>, transpose_lhs_hint = false} : vector<2048x64xf32>, vector<64x64xf32>, vector<2048x64xf32> -> vector<2048x64xf32>
    %get3A_23 = arith.constant 0 : index
    %get3A_24 = arith.constant 0 : index
    %get3A_25 = arith.constant 0 : index
    %get3A_26 = vector.load %arg5[%get3A_23, %get3A_24, %get3A_25] : memref<1x1x64xf32, #tpu.memory_space<vmem>>, vector<1x1x64xf32>
    %get3A_27 = vector.shape_cast %get3A_26 : vector<1x1x64xf32> to vector<1x64xf32>
    %add3A_28 = vector.broadcast %get3A_27 : vector<1x64xf32> to vector<2048x64xf32>
    %add3A_29 = arith.addf %dot_general3A_22, %add3A_28 : vector<2048x64xf32>
    %get3A_30 = arith.constant 0 : index
    %get3A_31 = arith.constant 0 : index
    %get3A_32 = arith.constant 0 : index
    %get3A_33 = vector.load %arg6[%get3A_30, %get3A_31, %get3A_32] : memref<1x64x64xf32, #tpu.memory_space<vmem>>, vector<1x64x64xf32>
    %get3A_34 = vector.shape_cast %get3A_33 : vector<1x64x64xf32> to vector<64x64xf32>
    %dot_general3A_35 = arith.constant dense<0.000000e+00> : vector<2048x64xf32>
    %dot_general3A_36 = tpu.matmul %get3A_3, %get3A_34, %dot_general3A_35 {dimension_numbers = #tpu.dot_dimension_numbers<[1], [0], [0], [1], [0, 0, 1, 1], [], []>, transpose_lhs_hint = false} : vector<2048x64xf32>, vector<64x64xf32>, vector<2048x64xf32> -> vector<2048x64xf32>
    %get3A_37 = arith.constant 0 : index
    %get3A_38 = arith.constant 0 : index
    %get3A_39 = arith.constant 0 : index
    %get3A_40 = vector.load %arg7[%get3A_37, %get3A_38, %get3A_39] : memref<1x1x64xf32, #tpu.memory_space<vmem>>, vector<1x1x64xf32>
    %get3A_41 = vector.shape_cast %get3A_40 : vector<1x1x64xf32> to vector<1x64xf32>
    %add3A_42 = vector.broadcast %get3A_41 : vector<1x64xf32> to vector<2048x64xf32>
    %add3A_43 = arith.addf %dot_general3A_36, %add3A_42 : vector<2048x64xf32>
    %get3A_44 = arith.constant 0 : index
    %get3A_45 = arith.constant 0 : index
    %get3A_46 = arith.constant 0 : index
    %get3A_47 = vector.load %arg8[%get3A_44, %get3A_45, %get3A_46] : memref<1x32x64xf32, #tpu.memory_space<vmem>>, vector<1x32x64xf32>
    %get3A_48 = vector.shape_cast %get3A_47 : vector<1x32x64xf32> to vector<32x64xf32>
    %dot_general3A_49 = arith.constant dense<0.000000e+00> : vector<2048x32xf32>
    %dot_general3A_50 = tpu.matmul %add3A_15, %get3A_48, %dot_general3A_49 {dimension_numbers = #tpu.dot_dimension_numbers<[1], [1], [0], [0], [0, 0, 1, 0], [], []>, transpose_lhs_hint = false} : vector<2048x64xf32>, vector<32x64xf32>, vector<2048x32xf32> -> vector<2048x32xf32>
    %iota3A = tpu.iota {dimensions = array<i32: 1>} : vector<2048x32xi32>
    %reduce_max3A = arith.constant dense<0xFF800000> : vector<2048xf32>
    %reduce_max3A_51 = vector.multi_reduction <maximumf>, %dot_general3A_50, %reduce_max3A [1] : vector<2048x32xf32> to vector<2048xf32>
    %broadcast_in_dim3A = vector.shape_cast %reduce_max3A_51 : vector<2048xf32> to vector<2048x1xf32>
    %eq3A = vector.broadcast %broadcast_in_dim3A : vector<2048x1xf32> to vector<2048x32xf32>
    %eq3A_52 = arith.cmpf oeq, %dot_general3A_50, %eq3A : vector<2048x32xf32>
    %jit3A = arith.constant 32 : i32
    %broadcast_in_dim3A_53 = vector.broadcast %jit3A : i32 to vector<2048x32xi32>
    %select_n3A = arith.select %eq3A_52, %iota3A, %broadcast_in_dim3A_53 : vector<2048x32xi1>, vector<2048x32xi32>
    %reduce_min3A = arith.constant dense<2147483647> : vector<2048xi32>
    %reduce_min3A_54 = vector.multi_reduction <minsi>, %select_n3A, %reduce_min3A [1] : vector<2048x32xi32> to vector<2048xi32>
    %broadcast_in_dim3A_55 = vector.shape_cast %reduce_min3A_54 : vector<2048xi32> to vector<2048x1xi32>
    %eq3A_56 = vector.broadcast %broadcast_in_dim3A_55 : vector<2048x1xi32> to vector<2048x32xi32>
    %eq3A_57 = arith.cmpi eq, %iota3A, %eq3A_56 : vector<2048x32xi32>
    %jit3A_58 = arith.constant 0xFF800000 : f32
    %broadcast_in_dim3A_59 = vector.broadcast %jit3A_58 : f32 to vector<2048x32xf32>
    %select_n3A_60 = arith.select %eq3A_57, %broadcast_in_dim3A_59, %dot_general3A_50 : vector<2048x32xi1>, vector<2048x32xf32>
    %reduce_max3A_61 = arith.constant dense<0xFF800000> : vector<2048xf32>
    %reduce_max3A_62 = vector.multi_reduction <maximumf>, %select_n3A_60, %reduce_max3A_61 [1] : vector<2048x32xf32> to vector<2048xf32>
    %broadcast_in_dim3A_63 = vector.shape_cast %reduce_max3A_62 : vector<2048xf32> to vector<2048x1xf32>
    %eq3A_64 = vector.broadcast %broadcast_in_dim3A_63 : vector<2048x1xf32> to vector<2048x32xf32>
    %eq3A_65 = arith.cmpf oeq, %select_n3A_60, %eq3A_64 : vector<2048x32xf32>
    %jit3A_66 = arith.constant 32 : i32
    %broadcast_in_dim3A_67 = vector.broadcast %jit3A_66 : i32 to vector<2048x32xi32>
    %select_n3A_68 = arith.select %eq3A_65, %iota3A, %broadcast_in_dim3A_67 : vector<2048x32xi1>, vector<2048x32xi32>
    %reduce_min3A_69 = arith.constant dense<2147483647> : vector<2048xi32>
    %reduce_min3A_70 = vector.multi_reduction <minsi>, %select_n3A_68, %reduce_min3A_69 [1] : vector<2048x32xi32> to vector<2048xi32>
    %broadcast_in_dim3A_71 = vector.shape_cast %reduce_min3A_70 : vector<2048xi32> to vector<2048x1xi32>
    %sub3A = arith.subf %broadcast_in_dim3A_63, %broadcast_in_dim3A : vector<2048x1xf32>
    %exp3A = math.exp %sub3A : vector<2048x1xf32>
    %add3A_72 = arith.constant 1.000000e+00 : f32
    %add3A_73 = vector.broadcast %add3A_72 : f32 to vector<2048x1xf32>
    %add3A_74 = arith.addf %add3A_73, %exp3A : vector<2048x1xf32>
    %div3A = arith.constant 1.000000e+00 : f32
    %div3A_75 = vector.broadcast %div3A : f32 to vector<2048x1xf32>
    %div3A_76 = arith.divf %div3A_75, %add3A_74 : vector<2048x1xf32>
    %add3A_77 = arith.constant 1.000000e+00 : f32
    %add3A_78 = vector.broadcast %add3A_77 : f32 to vector<2048x1xf32>
    %add3A_79 = arith.addf %add3A_78, %exp3A : vector<2048x1xf32>
    %div3A_80 = arith.divf %exp3A, %add3A_79 : vector<2048x1xf32>
    %swap3A = arith.constant 0 : index
    %swap3A_81 = arith.constant 0 : index
    %swap3A_82 = arith.constant 0 : index
    %swap3A_83 = vector.load %arg9[%swap3A, %swap3A_81, %swap3A_82] : memref<1x2048x64xf32, #tpu.memory_space<vmem>>, vector<1x2048x64xf32>
    %swap3A_84 = vector.shape_cast %swap3A_83 : vector<1x2048x64xf32> to vector<2048x64xf32>
    %swap3A_85 = vector.shape_cast %add3A_15 : vector<2048x64xf32> to vector<1x2048x64xf32>
    tpu.vector_store %arg9[%swap3A, %swap3A_81, %swap3A_82], %swap3A_85 {strides = array<i32>} : memref<1x2048x64xf32, #tpu.memory_space<vmem>>, vector<1x2048x64xf32>,
    %concatenate3A = tpu.concatenate %add3A_29, %add3A_43 in 1 : vector<2048x64xf32>, vector<2048x64xf32> -> vector<2048x128xf32>
    %mul3A = vector.broadcast %div3A_76 : vector<2048x1xf32> to vector<2048x128xf32>
    %mul3A_86 = arith.mulf %mul3A, %concatenate3A : vector<2048x128xf32>
    %swap3A_87 = arith.constant 0 : index
    %swap3A_88 = arith.constant 0 : index
    %swap3A_89 = arith.constant 0 : index
    %swap3A_90 = vector.load %arg10[%swap3A_87, %swap3A_88, %swap3A_89] : memref<1x2048x128xf32, #tpu.memory_space<vmem>>, vector<1x2048x128xf32>
    %swap3A_91 = vector.shape_cast %swap3A_90 : vector<1x2048x128xf32> to vector<2048x128xf32>
    %swap3A_92 = vector.shape_cast %mul3A_86 : vector<2048x128xf32> to vector<1x2048x128xf32>
    tpu.vector_store %arg10[%swap3A_87, %swap3A_88, %swap3A_89], %swap3A_92 {strides = array<i32>} : memref<1x2048x128xf32, #tpu.memory_space<vmem>>, vector<1x2048x128xf32>,
    %mul3A_93 = vector.broadcast %div3A_80 : vector<2048x1xf32> to vector<2048x128xf32>
    %mul3A_94 = arith.mulf %mul3A_93, %concatenate3A : vector<2048x128xf32>
    %swap3A_95 = arith.constant 0 : index
    %swap3A_96 = arith.constant 0 : index
    %swap3A_97 = arith.constant 0 : index
    %swap3A_98 = vector.load %arg11[%swap3A_95, %swap3A_96, %swap3A_97] : memref<1x2048x128xf32, #tpu.memory_space<vmem>>, vector<1x2048x128xf32>
    %swap3A_99 = vector.shape_cast %swap3A_98 : vector<1x2048x128xf32> to vector<2048x128xf32>
    %swap3A_100 = vector.shape_cast %mul3A_94 : vector<2048x128xf32> to vector<1x2048x128xf32>
    tpu.vector_store %arg11[%swap3A_95, %swap3A_96, %swap3A_97], %swap3A_100 {strides = array<i32>} : memref<1x2048x128xf32, #tpu.memory_space<vmem>>, vector<1x2048x128xf32>,
    %iota3A_101 = tpu.iota {dimensions = array<i32: 0>} : vector<2048x1xi32>
    %jit3A_102 = arith.constant 16 : i32
    %eq3A_103 = arith.constant 0 : i32
    %eq3A_104 = arith.cmpi eq, %jit3A_102, %eq3A_103 : i32
    %jit3A_105 = arith.constant 1 : i32
    %select_n3A_106 = arith.select %eq3A_104, %jit3A_105, %jit3A_102 : i32
    %rem3A = vector.broadcast %select_n3A_106 : i32 to vector<2048x1xi32>
    %rem3A_107 = arith.remsi %iota3A_101, %rem3A : vector<2048x1xi32>
    %ne3A = arith.constant 0 : i32
    %ne3A_108 = vector.broadcast %ne3A : i32 to vector<2048x1xi32>
    %ne3A_109 = arith.cmpi ne, %rem3A_107, %ne3A_108 : vector<2048x1xi32>
    %lt3A = arith.constant 0 : i32
    %lt3A_110 = vector.broadcast %lt3A : i32 to vector<2048x1xi32>
    %lt3A_111 = arith.cmpi slt, %rem3A_107, %lt3A_110 : vector<2048x1xi32>
    %lt3A_112 = arith.constant 0 : i32
    %lt3A_113 = arith.cmpi slt, %select_n3A_106, %lt3A_112 : i32
    %ne3A_114 = vector.broadcast %lt3A_113 : i1 to vector<2048x1xi1>
    %ne3A_115 = vector.broadcast %ne3A_114 : vector<2048x1xi1> to vector<2048x1xi1>
    %ne3A_116 = arith.xori %lt3A_111, %ne3A_115 : vector<2048x1xi1>
    %and3A = arith.andi %ne3A_116, %ne3A_109 : vector<2048x1xi1>
    %add3A_117 = vector.broadcast %select_n3A_106 : i32 to vector<2048x1xi32>
    %add3A_118 = arith.addi %rem3A_107, %add3A_117 : vector<2048x1xi32>
    %select_n3A_119 = arith.select %and3A, %add3A_118, %rem3A_107 : vector<2048x1xi1>, vector<2048x1xi32>
    %jit3A_120 = arith.constant 6 : i32
    %eq3A_121 = arith.constant 0 : i32
    %eq3A_122 = arith.cmpi eq, %jit3A_120, %eq3A_121 : i32
    %jit3A_123 = arith.constant 1 : i32
    %select_n3A_124 = arith.select %eq3A_122, %jit3A_123, %jit3A_120 : i32
    %rem3A_125 = arith.remsi %arg0, %select_n3A_124 : i32
    %ne3A_126 = arith.constant 0 : i32
    %ne3A_127 = arith.cmpi ne, %rem3A_125, %ne3A_126 : i32
    %lt3A_128 = arith.constant 0 : i32
    %lt3A_129 = arith.cmpi slt, %rem3A_125, %lt3A_128 : i32
    %lt3A_130 = arith.constant 0 : i32
    %lt3A_131 = arith.cmpi slt, %select_n3A_124, %lt3A_130 : i32
    %ne3A_132 = arith.xori %lt3A_129, %lt3A_131 : i1
    %and3A_133 = arith.andi %ne3A_132, %ne3A_127 : i1
    %add3A_134 = arith.addi %rem3A_125, %select_n3A_124 : i32
    %select_n3A_135 = arith.select %and3A_133, %add3A_134, %rem3A_125 : i32
    %mul3A_136 = arith.constant 32 : i32
    %mul3A_137 = arith.muli %select_n3A_135, %mul3A_136 : i32
    %mul3A_138 = arith.constant 16 : i32
    %mul3A_139 = arith.muli %mul3A_137, %mul3A_138 : i32
    %mul3A_140 = arith.constant 16 : i32
    %mul3A_141 = vector.broadcast %mul3A_140 : i32 to vector<2048x1xi32>
    %mul3A_142 = arith.muli %broadcast_in_dim3A_55, %mul3A_141 : vector<2048x1xi32>
    %add3A_143 = vector.broadcast %mul3A_139 : i32 to vector<2048x1xi32>
    %add3A_144 = arith.addi %add3A_143, %mul3A_142 : vector<2048x1xi32>
    %add3A_145 = arith.addi %add3A_144, %select_n3A_119 : vector<2048x1xi32>
    %swap3A_146 = arith.constant 0 : index
    %swap3A_147 = arith.constant 0 : index
    %swap3A_148 = arith.constant 0 : index
    %swap3A_149 = vector.load %arg12[%swap3A_146, %swap3A_147, %swap3A_148] : memref<1x2048x1xi32, #tpu.memory_space<vmem>>, vector<1x2048x1xi32>
    %swap3A_150 = vector.shape_cast %swap3A_149 : vector<1x2048x1xi32> to vector<2048x1xi32>
    %swap3A_151 = vector.shape_cast %add3A_145 : vector<2048x1xi32> to vector<1x2048x1xi32>
    tpu.vector_store %arg12[%swap3A_146, %swap3A_147, %swap3A_148], %swap3A_151 {strides = array<i32>} : memref<1x2048x1xi32, #tpu.memory_space<vmem>>, vector<1x2048x1xi32>,
    %mul3A_152 = arith.constant 16 : i32
    %mul3A_153 = vector.broadcast %mul3A_152 : i32 to vector<2048x1xi32>
    %mul3A_154 = arith.muli %broadcast_in_dim3A_71, %mul3A_153 : vector<2048x1xi32>
    %add3A_155 = vector.broadcast %mul3A_139 : i32 to vector<2048x1xi32>
    %add3A_156 = arith.addi %add3A_155, %mul3A_154 : vector<2048x1xi32>
    %add3A_157 = arith.addi %add3A_156, %select_n3A_119 : vector<2048x1xi32>
    %swap3A_158 = arith.constant 0 : index
    %swap3A_159 = arith.constant 0 : index
    %swap3A_160 = arith.constant 0 : index
    %swap3A_161 = vector.load %arg13[%swap3A_158, %swap3A_159, %swap3A_160] : memref<1x2048x1xi32, #tpu.memory_space<vmem>>, vector<1x2048x1xi32>
    %swap3A_162 = vector.shape_cast %swap3A_161 : vector<1x2048x1xi32> to vector<2048x1xi32>
    %swap3A_163 = vector.shape_cast %add3A_157 : vector<2048x1xi32> to vector<1x2048x1xi32>
    tpu.vector_store %arg13[%swap3A_158, %swap3A_159, %swap3A_160], %swap3A_163 {strides = array<i32>} : memref<1x2048x1xi32, #tpu.memory_space<vmem>>, vector<1x2048x1xi32>,
    return
  }
  func.func @transform_0(%arg0: i32) -> (i32, i32, i32) {
    %c0_i32 = arith.constant 0 : i32
    %c0_i32_0 = arith.constant 0 : i32
    %c0_i32_1 = arith.constant 0 : i32
    return %arg0, %c0_i32, %c0_i32_0 : i32, i32, i32
  }
  func.func @transform_1(%arg0: i32) -> (i32, i32, i32) {
    %c0_i32 = arith.constant 0 : i32
    %c0_i32_0 = arith.constant 0 : i32
    %c0_i32_1 = arith.constant 0 : i32
    return %arg0, %c0_i32, %c0_i32_0 : i32, i32, i32
  }
  func.func @transform_2(%arg0: i32) -> (i32, i32, i32) {
    %c0_i32 = arith.constant 0 : i32
    %c0_i32_0 = arith.constant 0 : i32
    %c0_i32_1 = arith.constant 0 : i32
    return %arg0, %c0_i32, %c0_i32_0 : i32, i32, i32
  }
  func.func @transform_3(%arg0: i32) -> (i32, i32, i32) {
    %c0_i32 = arith.constant 0 : i32
    %c0_i32_0 = arith.constant 0 : i32
    %c0_i32_1 = arith.constant 0 : i32
    return %arg0, %c0_i32, %c0_i32_0 : i32, i32, i32
  }
  func.func @transform_4(%arg0: i32) -> (i32, i32, i32) {
    %c0_i32 = arith.constant 0 : i32
    %c0_i32_0 = arith.constant 0 : i32
    %c0_i32_1 = arith.constant 0 : i32
    return %arg0, %c0_i32, %c0_i32_0 : i32, i32, i32
  }
  func.func @transform_5(%arg0: i32) -> (i32, i32, i32) {
    %c0_i32 = arith.constant 0 : i32
    %c0_i32_0 = arith.constant 0 : i32
    %c0_i32_1 = arith.constant 0 : i32
    return %arg0, %c0_i32, %c0_i32_0 : i32, i32, i32
  }
  func.func @transform_6(%arg0: i32) -> (i32, i32, i32) {
    %c0_i32 = arith.constant 0 : i32
    %c0_i32_0 = arith.constant 0 : i32
    %c0_i32_1 = arith.constant 0 : i32
    return %arg0, %c0_i32, %c0_i32_0 : i32, i32, i32
  }
  func.func @transform_7(%arg0: i32) -> (i32, i32, i32) {
    %c0_i32 = arith.constant 0 : i32
    %c0_i32_0 = arith.constant 0 : i32
    %c0_i32_1 = arith.constant 0 : i32
    return %arg0, %c0_i32, %c0_i32_0 : i32, i32, i32
  }
  func.func @transform_8(%arg0: i32) -> (i32, i32, i32) {
    %c0_i32 = arith.constant 0 : i32
    %c0_i32_0 = arith.constant 0 : i32
    %c0_i32_1 = arith.constant 0 : i32
    return %arg0, %c0_i32, %c0_i32_0 : i32, i32, i32
  }
  func.func @transform_9(%arg0: i32) -> (i32, i32, i32) {
    %c0_i32 = arith.constant 0 : i32
    %c0_i32_0 = arith.constant 0 : i32
    %c0_i32_1 = arith.constant 0 : i32
    return %arg0, %c0_i32, %c0_i32_0 : i32, i32, i32
  }
  func.func @transform_10(%arg0: i32) -> (i32, i32, i32) {
    %c0_i32 = arith.constant 0 : i32
    %c0_i32_0 = arith.constant 0 : i32
    %c0_i32_1 = arith.constant 0 : i32
    return %arg0, %c0_i32, %c0_i32_0 : i32, i32, i32
  }
  func.func @transform_11(%arg0: i32) -> (i32, i32, i32) {
    %c0_i32 = arith.constant 0 : i32
    %c0_i32_0 = arith.constant 0 : i32
    %c0_i32_1 = arith.constant 0 : i32
    return %arg0, %c0_i32, %c0_i32_0 : i32, i32, i32
  }
  func.func @transform_12(%arg0: i32) -> (i32, i32, i32) {
    %c0_i32 = arith.constant 0 : i32
    %c0_i32_0 = arith.constant 0 : i32
    %c0_i32_1 = arith.constant 0 : i32
    return %arg0, %c0_i32, %c0_i32_0 : i32, i32, i32
  }
}

module attributes {stable_mosaic.version = 14 : i64} {
  func.func @_attend_kernel(%arg0: i32, %arg1: memref<1x2048x64xf32, #tpu.memory_space<vmem>>, %arg2: memref<1x512x128xf32, #tpu.memory_space<vmem>>, %arg3: memref<1x2048x1xi32, #tpu.memory_space<vmem>>, %arg4: memref<1x2048x1xi32, #tpu.memory_space<vmem>>, %arg5: memref<1x64x768xf32, #tpu.memory_space<vmem>>, %arg6: memref<1x768xf32, #tpu.memory_space<vmem>>, %arg7: memref<2048x768xf32, #tpu.memory_space<vmem>>) attributes {dimension_semantics = [#tpu.dimension_semantics<arbitrary>], iteration_bounds = array<i64: 12>, scalar_prefetch = 0 : i64, scratch_operands = 0 : i64, tpu.core_type = #tpu.core_type<tc>, window_params = [{transform_indices = @transform_0, window_bounds = array<i64: 1, 2048, 64>}, {transform_indices = @transform_1, window_bounds = array<i64: 1, 512, 128>}, {transform_indices = @transform_2, window_bounds = array<i64: 1, 2048, 1>}, {transform_indices = @transform_3, window_bounds = array<i64: 1, 2048, 1>}, {transform_indices = @transform_4, window_bounds = array<i64: 1, 64, 768>}, {pipeline_mode = #tpu.pipeline_mode<synchronous>, transform_indices = @transform_5, window_bounds = array<i64: 1, 768>}, {pipeline_mode = #tpu.pipeline_mode<synchronous>, transform_indices = @transform_6, window_bounds = array<i64: 2048, 768>}]} {
    %get3A = arith.constant 0 : index
    %get3A_0 = arith.constant 0 : index
    %get3A_1 = arith.constant 0 : index
    %get3A_2 = vector.load %arg1[%get3A, %get3A_0, %get3A_1] : memref<1x2048x64xf32, #tpu.memory_space<vmem>>, vector<1x2048x64xf32>
    %get3A_3 = vector.shape_cast %get3A_2 : vector<1x2048x64xf32> to vector<2048x64xf32>
    %get3A_4 = arith.constant 0 : index
    %get3A_5 = arith.constant 0 : index
    %get3A_6 = arith.constant 0 : index
    %get3A_7 = vector.load %arg2[%get3A_4, %get3A_5, %get3A_6] : memref<1x512x128xf32, #tpu.memory_space<vmem>>, vector<1x512x128xf32>
    %get3A_8 = vector.shape_cast %get3A_7 : vector<1x512x128xf32> to vector<512x128xf32>
    %slice3A = vector.extract_strided_slice %get3A_8 {offsets = [0, 0], sizes = [512, 64], strides = [1, 1]} : vector<512x128xf32> to vector<512x64xf32>
    %slice3A_9 = vector.extract_strided_slice %get3A_8 {offsets = [0, 64], sizes = [512, 64], strides = [1, 1]} : vector<512x128xf32> to vector<512x64xf32>
    %jit3A = arith.constant 6 : i32
    %eq3A = arith.constant 0 : i32
    %eq3A_10 = arith.cmpi eq, %jit3A, %eq3A : i32
    %jit3A_11 = arith.constant 1 : i32
    %select_n3A = arith.select %eq3A_10, %jit3A_11, %jit3A : i32
    %rem3A = arith.remsi %arg0, %select_n3A : i32
    %ne3A = arith.constant 0 : i32
    %ne3A_12 = arith.cmpi ne, %rem3A, %ne3A : i32
    %lt3A = arith.constant 0 : i32
    %lt3A_13 = arith.cmpi slt, %rem3A, %lt3A : i32
    %lt3A_14 = arith.constant 0 : i32
    %lt3A_15 = arith.cmpi slt, %select_n3A, %lt3A_14 : i32
    %ne3A_16 = arith.xori %lt3A_13, %lt3A_15 : i1
    %and3A = arith.andi %ne3A_16, %ne3A_12 : i1
    %add3A = arith.addi %rem3A, %select_n3A : i32
    %select_n3A_17 = arith.select %and3A, %add3A, %rem3A : i32
    %mul3A = arith.constant 512 : i32
    %mul3A_18 = arith.muli %select_n3A_17, %mul3A : i32
    %get3A_19 = arith.constant 0 : index
    %get3A_20 = arith.constant 0 : index
    %get3A_21 = arith.constant 0 : index
    %get3A_22 = vector.load %arg3[%get3A_19, %get3A_20, %get3A_21] : memref<1x2048x1xi32, #tpu.memory_space<vmem>>, vector<1x2048x1xi32>
    %get3A_23 = vector.shape_cast %get3A_22 : vector<1x2048x1xi32> to vector<2048x1xi32>
    %sub3A = vector.broadcast %mul3A_18 : i32 to vector<2048x1xi32>
    %sub3A_24 = arith.subi %get3A_23, %sub3A : vector<2048x1xi32>
    %jit3A_25 = arith.constant 16 : i32
    %div3A = vector.broadcast %jit3A_25 : i32 to vector<2048x1xi32>
    %div3A_26 = arith.divsi %sub3A_24, %div3A : vector<2048x1xi32>
    %sign3A = arith.constant 0 : i32
    %sign3A_27 = vector.broadcast %sign3A : i32 to vector<2048x1xi32>
    %sign3A_28 = arith.cmpi sgt, %sub3A_24, %sign3A_27 : vector<2048x1xi32>
    %sign3A_29 = arith.extui %sign3A_28 : vector<2048x1xi1> to vector<2048x1xi32>
    %sign3A_30 = arith.constant 0 : i32
    %sign3A_31 = vector.broadcast %sign3A_30 : i32 to vector<2048x1xi32>
    %sign3A_32 = arith.cmpi slt, %sub3A_24, %sign3A_31 : vector<2048x1xi32>
    %sign3A_33 = arith.extui %sign3A_32 : vector<2048x1xi1> to vector<2048x1xi32>
    %sign3A_34 = arith.subi %sign3A_29, %sign3A_33 : vector<2048x1xi32>
    %sign3A_35 = arith.constant 0 : i32
    %sign3A_36 = arith.cmpi sgt, %jit3A_25, %sign3A_35 : i32
    %sign3A_37 = arith.extui %sign3A_36 : i1 to i32
    %sign3A_38 = arith.constant 0 : i32
    %sign3A_39 = arith.cmpi slt, %jit3A_25, %sign3A_38 : i32
    %sign3A_40 = arith.extui %sign3A_39 : i1 to i32
    %sign3A_41 = arith.subi %sign3A_37, %sign3A_40 : i32
    %ne3A_42 = vector.broadcast %sign3A_41 : i32 to vector<2048x1xi32>
    %ne3A_43 = arith.cmpi ne, %sign3A_34, %ne3A_42 : vector<2048x1xi32>
    %rem3A_44 = vector.broadcast %jit3A_25 : i32 to vector<2048x1xi32>
    %rem3A_45 = arith.remsi %sub3A_24, %rem3A_44 : vector<2048x1xi32>
    %ne3A_46 = arith.constant 0 : i32
    %ne3A_47 = vector.broadcast %ne3A_46 : i32 to vector<2048x1xi32>
    %ne3A_48 = arith.cmpi ne, %rem3A_45, %ne3A_47 : vector<2048x1xi32>
    %and3A_49 = arith.andi %ne3A_43, %ne3A_48 : vector<2048x1xi1>
    %sub3A_50 = arith.constant 1 : i32
    %sub3A_51 = vector.broadcast %sub3A_50 : i32 to vector<2048x1xi32>
    %sub3A_52 = arith.subi %div3A_26, %sub3A_51 : vector<2048x1xi32>
    %select_n3A_53 = arith.select %and3A_49, %sub3A_52, %div3A_26 : vector<2048x1xi1>, vector<2048x1xi32>
    %get3A_54 = arith.constant 0 : index
    %get3A_55 = arith.constant 0 : index
    %get3A_56 = arith.constant 0 : index
    %get3A_57 = vector.load %arg4[%get3A_54, %get3A_55, %get3A_56] : memref<1x2048x1xi32, #tpu.memory_space<vmem>>, vector<1x2048x1xi32>
    %get3A_58 = vector.shape_cast %get3A_57 : vector<1x2048x1xi32> to vector<2048x1xi32>
    %sub3A_59 = vector.broadcast %mul3A_18 : i32 to vector<2048x1xi32>
    %sub3A_60 = arith.subi %get3A_58, %sub3A_59 : vector<2048x1xi32>
    %jit3A_61 = arith.constant 16 : i32
    %div3A_62 = vector.broadcast %jit3A_61 : i32 to vector<2048x1xi32>
    %div3A_63 = arith.divsi %sub3A_60, %div3A_62 : vector<2048x1xi32>
    %sign3A_64 = arith.constant 0 : i32
    %sign3A_65 = vector.broadcast %sign3A_64 : i32 to vector<2048x1xi32>
    %sign3A_66 = arith.cmpi sgt, %sub3A_60, %sign3A_65 : vector<2048x1xi32>
    %sign3A_67 = arith.extui %sign3A_66 : vector<2048x1xi1> to vector<2048x1xi32>
    %sign3A_68 = arith.constant 0 : i32
    %sign3A_69 = vector.broadcast %sign3A_68 : i32 to vector<2048x1xi32>
    %sign3A_70 = arith.cmpi slt, %sub3A_60, %sign3A_69 : vector<2048x1xi32>
    %sign3A_71 = arith.extui %sign3A_70 : vector<2048x1xi1> to vector<2048x1xi32>
    %sign3A_72 = arith.subi %sign3A_67, %sign3A_71 : vector<2048x1xi32>
    %sign3A_73 = arith.constant 0 : i32
    %sign3A_74 = arith.cmpi sgt, %jit3A_61, %sign3A_73 : i32
    %sign3A_75 = arith.extui %sign3A_74 : i1 to i32
    %sign3A_76 = arith.constant 0 : i32
    %sign3A_77 = arith.cmpi slt, %jit3A_61, %sign3A_76 : i32
    %sign3A_78 = arith.extui %sign3A_77 : i1 to i32
    %sign3A_79 = arith.subi %sign3A_75, %sign3A_78 : i32
    %ne3A_80 = vector.broadcast %sign3A_79 : i32 to vector<2048x1xi32>
    %ne3A_81 = arith.cmpi ne, %sign3A_72, %ne3A_80 : vector<2048x1xi32>
    %rem3A_82 = vector.broadcast %jit3A_61 : i32 to vector<2048x1xi32>
    %rem3A_83 = arith.remsi %sub3A_60, %rem3A_82 : vector<2048x1xi32>
    %ne3A_84 = arith.constant 0 : i32
    %ne3A_85 = vector.broadcast %ne3A_84 : i32 to vector<2048x1xi32>
    %ne3A_86 = arith.cmpi ne, %rem3A_83, %ne3A_85 : vector<2048x1xi32>
    %and3A_87 = arith.andi %ne3A_81, %ne3A_86 : vector<2048x1xi1>
    %sub3A_88 = arith.constant 1 : i32
    %sub3A_89 = vector.broadcast %sub3A_88 : i32 to vector<2048x1xi32>
    %sub3A_90 = arith.subi %div3A_63, %sub3A_89 : vector<2048x1xi32>
    %select_n3A_91 = arith.select %and3A_87, %sub3A_90, %div3A_63 : vector<2048x1xi1>, vector<2048x1xi32>
    %dot_general3A = arith.constant dense<0.000000e+00> : vector<2048x512xf32>
    %dot_general3A_92 = tpu.matmul %get3A_3, %slice3A, %dot_general3A {dimension_numbers = #tpu.dot_dimension_numbers<[1], [1], [0], [0], [0, 0, 1, 0], [], []>, transpose_lhs_hint = false} : vector<2048x64xf32>, vector<512x64xf32>, vector<2048x512xf32> -> vector<2048x512xf32>
    %mul3A_93 = arith.constant 1.250000e-01 : f32
    %mul3A_94 = vector.broadcast %mul3A_93 : f32 to vector<2048x512xf32>
    %mul3A_95 = arith.mulf %dot_general3A_92, %mul3A_94 : vector<2048x512xf32>
    %iota3A = tpu.iota {dimensions = array<i32: 1>} : vector<2048x512xi32>
    %jit3A_96 = arith.constant 16 : i32
    %div3A_97 = vector.broadcast %jit3A_96 : i32 to vector<2048x512xi32>
    %div3A_98 = arith.divsi %iota3A, %div3A_97 : vector<2048x512xi32>
    %sign3A_99 = arith.constant 0 : i32
    %sign3A_100 = vector.broadcast %sign3A_99 : i32 to vector<2048x512xi32>
    %sign3A_101 = arith.cmpi sgt, %iota3A, %sign3A_100 : vector<2048x512xi32>
    %sign3A_102 = arith.extui %sign3A_101 : vector<2048x512xi1> to vector<2048x512xi32>
    %sign3A_103 = arith.constant 0 : i32
    %sign3A_104 = vector.broadcast %sign3A_103 : i32 to vector<2048x512xi32>
    %sign3A_105 = arith.cmpi slt, %iota3A, %sign3A_104 : vector<2048x512xi32>
    %sign3A_106 = arith.extui %sign3A_105 : vector<2048x512xi1> to vector<2048x512xi32>
    %sign3A_107 = arith.subi %sign3A_102, %sign3A_106 : vector<2048x512xi32>
    %sign3A_108 = arith.constant 0 : i32
    %sign3A_109 = arith.cmpi sgt, %jit3A_96, %sign3A_108 : i32
    %sign3A_110 = arith.extui %sign3A_109 : i1 to i32
    %sign3A_111 = arith.constant 0 : i32
    %sign3A_112 = arith.cmpi slt, %jit3A_96, %sign3A_111 : i32
    %sign3A_113 = arith.extui %sign3A_112 : i1 to i32
    %sign3A_114 = arith.subi %sign3A_110, %sign3A_113 : i32
    %ne3A_115 = vector.broadcast %sign3A_114 : i32 to vector<2048x512xi32>
    %ne3A_116 = arith.cmpi ne, %sign3A_107, %ne3A_115 : vector<2048x512xi32>
    %rem3A_117 = vector.broadcast %jit3A_96 : i32 to vector<2048x512xi32>
    %rem3A_118 = arith.remsi %iota3A, %rem3A_117 : vector<2048x512xi32>
    %ne3A_119 = arith.constant 0 : i32
    %ne3A_120 = vector.broadcast %ne3A_119 : i32 to vector<2048x512xi32>
    %ne3A_121 = arith.cmpi ne, %rem3A_118, %ne3A_120 : vector<2048x512xi32>
    %and3A_122 = arith.andi %ne3A_116, %ne3A_121 : vector<2048x512xi1>
    %sub3A_123 = arith.constant 1 : i32
    %sub3A_124 = vector.broadcast %sub3A_123 : i32 to vector<2048x512xi32>
    %sub3A_125 = arith.subi %div3A_98, %sub3A_124 : vector<2048x512xi32>
    %select_n3A_126 = arith.select %and3A_122, %sub3A_125, %div3A_98 : vector<2048x512xi1>, vector<2048x512xi32>
    %eq3A_127 = vector.broadcast %select_n3A_53 : vector<2048x1xi32> to vector<2048x512xi32>
    %eq3A_128 = arith.cmpi eq, %select_n3A_126, %eq3A_127 : vector<2048x512xi32>
    %eq3A_129 = vector.broadcast %select_n3A_91 : vector<2048x1xi32> to vector<2048x512xi32>
    %eq3A_130 = arith.cmpi eq, %select_n3A_126, %eq3A_129 : vector<2048x512xi32>
    %or3A = arith.ori %eq3A_128, %eq3A_130 : vector<2048x512xi1>
    %jit3A_131 = arith.constant 0xFF800000 : f32
    %broadcast_in_dim3A = vector.broadcast %jit3A_131 : f32 to vector<2048x512xf32>
    %select_n3A_132 = arith.select %or3A, %mul3A_95, %broadcast_in_dim3A : vector<2048x512xi1>, vector<2048x512xf32>
    %reduce_max3A = arith.constant dense<0xFF800000> : vector<2048xf32>
    %reduce_max3A_133 = vector.multi_reduction <maximumf>, %select_n3A_132, %reduce_max3A [1] : vector<2048x512xf32> to vector<2048xf32>
    %broadcast_in_dim3A_134 = vector.shape_cast %reduce_max3A_133 : vector<2048xf32> to vector<2048x1xf32>
    %sub3A_135 = vector.broadcast %broadcast_in_dim3A_134 : vector<2048x1xf32> to vector<2048x512xf32>
    %sub3A_136 = arith.subf %select_n3A_132, %sub3A_135 : vector<2048x512xf32>
    %exp3A = math.exp %sub3A_136 : vector<2048x512xf32>
    %jit3A_137 = arith.constant 0.000000e+00 : f32
    %broadcast_in_dim3A_138 = vector.broadcast %jit3A_137 : f32 to vector<2048x512xf32>
    %select_n3A_139 = arith.select %or3A, %exp3A, %broadcast_in_dim3A_138 : vector<2048x512xi1>, vector<2048x512xf32>
    %reduce_sum3A = arith.constant dense<0.000000e+00> : vector<2048xf32>
    %reduce_sum3A_140 = vector.multi_reduction <add>, %select_n3A_139, %reduce_sum3A [1] : vector<2048x512xf32> to vector<2048xf32>
    %broadcast_in_dim3A_141 = vector.shape_cast %reduce_sum3A_140 : vector<2048xf32> to vector<2048x1xf32>
    %div3A_142 = vector.broadcast %broadcast_in_dim3A_141 : vector<2048x1xf32> to vector<2048x512xf32>
    %div3A_143 = arith.divf %select_n3A_139, %div3A_142 : vector<2048x512xf32>
    %dot_general3A_144 = arith.constant dense<0.000000e+00> : vector<2048x64xf32>
    %dot_general3A_145 = tpu.matmul %div3A_143, %slice3A_9, %dot_general3A_144 {dimension_numbers = #tpu.dot_dimension_numbers<[1], [0], [0], [1], [0, 0, 1, 1], [], []>, transpose_lhs_hint = false} : vector<2048x512xf32>, vector<512x64xf32>, vector<2048x64xf32> -> vector<2048x64xf32>
    %get3A_146 = arith.constant 0 : index
    %get3A_147 = arith.constant 0 : index
    %get3A_148 = arith.constant 0 : index
    %get3A_149 = vector.load %arg5[%get3A_146, %get3A_147, %get3A_148] : memref<1x64x768xf32, #tpu.memory_space<vmem>>, vector<1x64x768xf32>
    %get3A_150 = vector.shape_cast %get3A_149 : vector<1x64x768xf32> to vector<64x768xf32>
    %dot_general3A_151 = arith.constant dense<0.000000e+00> : vector<2048x768xf32>
    %dot_general3A_152 = tpu.matmul %dot_general3A_145, %get3A_150, %dot_general3A_151 {dimension_numbers = #tpu.dot_dimension_numbers<[1], [0], [0], [1], [0, 0, 1, 1], [], []>, transpose_lhs_hint = false} : vector<2048x64xf32>, vector<64x768xf32>, vector<2048x768xf32> -> vector<2048x768xf32>
    %eq3A_153 = arith.constant 0 : i32
    %eq3A_154 = arith.cmpi eq, %arg0, %eq3A_153 : i32
    %convert_element_type3A = arith.extui %eq3A_154 : i1 to i32
    %cond3A = arith.constant 0 : i32
    %cond3A_155 = arith.cmpi ne, %convert_element_type3A, %cond3A : i32
    scf.if %cond3A_155 {
      %get3A_162 = arith.constant 0 : index
      %get3A_163 = arith.constant 0 : index
      %get3A_164 = vector.load %arg6[%get3A_162, %get3A_163] : memref<1x768xf32, #tpu.memory_space<vmem>>, vector<1x768xf32>
      %broadcast_in_dim3A_165 = vector.shape_cast %get3A_164 : vector<1x768xf32> to vector<1x768xf32>
      %broadcast_in_dim3A_166 = vector.broadcast %broadcast_in_dim3A_165 : vector<1x768xf32> to vector<2048x768xf32>
      %swap3A_167 = arith.constant 0 : index
      %swap3A_168 = arith.constant 0 : index
      %swap3A_169 = vector.load %arg7[%swap3A_167, %swap3A_168] : memref<2048x768xf32, #tpu.memory_space<vmem>>, vector<2048x768xf32>
      tpu.vector_store %arg7[%swap3A_167, %swap3A_168], %broadcast_in_dim3A_166 {strides = array<i32>} : memref<2048x768xf32, #tpu.memory_space<vmem>>, vector<2048x768xf32>,
    } else {
    }
    %get3A_156 = arith.constant 0 : index
    %get3A_157 = arith.constant 0 : index
    %get3A_158 = vector.load %arg7[%get3A_156, %get3A_157] : memref<2048x768xf32, #tpu.memory_space<vmem>>, vector<2048x768xf32>
    %add3A_159 = arith.addf %get3A_158, %dot_general3A_152 : vector<2048x768xf32>
    %swap3A = arith.constant 0 : index
    %swap3A_160 = arith.constant 0 : index
    %swap3A_161 = vector.load %arg7[%swap3A, %swap3A_160] : memref<2048x768xf32, #tpu.memory_space<vmem>>, vector<2048x768xf32>
    tpu.vector_store %arg7[%swap3A, %swap3A_160], %add3A_159 {strides = array<i32>} : memref<2048x768xf32, #tpu.memory_space<vmem>>, vector<2048x768xf32>,
    return
  }
  func.func @transform_0(%arg0: i32) -> (i32, i32, i32) {
    %c0_i32 = arith.constant 0 : i32
    %c0_i32_0 = arith.constant 0 : i32
    %c0_i32_1 = arith.constant 0 : i32
    return %arg0, %c0_i32, %c0_i32_0 : i32, i32, i32
  }
  func.func @transform_1(%arg0: i32) -> (i32, i32, i32) {
    %c0_i32 = arith.constant 0 : i32
    %c0_i32_0 = arith.constant 0 : i32
    %c0_i32_1 = arith.constant 0 : i32
    return %arg0, %c0_i32, %c0_i32_0 : i32, i32, i32
  }
  func.func @transform_2(%arg0: i32) -> (i32, i32, i32) {
    %c0_i32 = arith.constant 0 : i32
    %c0_i32_0 = arith.constant 0 : i32
    %c0_i32_1 = arith.constant 0 : i32
    return %arg0, %c0_i32, %c0_i32_0 : i32, i32, i32
  }
  func.func @transform_3(%arg0: i32) -> (i32, i32, i32) {
    %c0_i32 = arith.constant 0 : i32
    %c0_i32_0 = arith.constant 0 : i32
    %c0_i32_1 = arith.constant 0 : i32
    return %arg0, %c0_i32, %c0_i32_0 : i32, i32, i32
  }
  func.func @transform_4(%arg0: i32) -> (i32, i32, i32) {
    %c0_i32 = arith.constant 0 : i32
    %c0_i32_0 = arith.constant 0 : i32
    %c0_i32_1 = arith.constant 0 : i32
    return %arg0, %c0_i32, %c0_i32_0 : i32, i32, i32
  }
  func.func @transform_5(%arg0: i32) -> (i32, i32) {
    %c0_i32 = arith.constant 0 : i32
    %c0_i32_0 = arith.constant 0 : i32
    %c0_i32_1 = arith.constant 0 : i32
    return %c0_i32, %c0_i32_0 : i32, i32
  }
  func.func @transform_6(%arg0: i32) -> (i32, i32) {
    %c0_i32 = arith.constant 0 : i32
    %c0_i32_0 = arith.constant 0 : i32
    %c0_i32_1 = arith.constant 0 : i32
    return %c0_i32, %c0_i32_0 : i32, i32
  }
}

</mosaic_0001>

<sc_bundles>
// kernel: kernel.5.cloned.1.call-start
scs
__scs_entry_jumppad:
0x0: {  	(pc) =	sbr.rel $0x88, $3  }
0x1: {  	(tag) =	ssettag $0x0;
	lr =	simm.s32 $0x1  }
0x2: {  	[smem:$0x3F97] =	sst lr;
	_ =	strace $0xD0000000  }
0x3: {  	_ = 	snop  }
0x4: {  	_ = 	snop  }
0x5: {  	_ = 	snop  }
0x6: {  	_ = 	snop  }
0x7: {  	_ = 	snop  }
__scs_overlays_trampoline_lowered:
0x8: {  	[smem:$0x3FA6] =	sst s0  }
0x9: {  	[smem:$0x3FA7] =	sst s1  }
0xa: {  	[smem:$0x3FA8] =	sst s2  }
0xb: {  	[smem:$0x3FA9] =	sst s3  }
0xc: {  	[smem:$0x3FAA] =	sst s4  }
0xd: {  	[smem:$0x3FAB] =	sst s5  }
0xe: {  	[smem:$0x3FAC] =	sst s6  }
0xf: {  	[smem:$0x3FAD] =	sst s7  }
0x10: {  	[smem:$0x3FAE] =	sst s8  }
0x11: {  	[smem:$0x3FAF] =	sst s9;
	s0 =	simm.s32 @!p0 $0x0  }
0x12: {  	s1 =	sld [smem:$0x3F95];
	s0 =	simm.s32 @p0 $0x1  }
0x13: {  	[smem:$0x3FB0] =	sst s0;
	s0 =	simm.s32 @!p1 $0x0  }
0x14: {  	s2 =	sld [smem:$0x3F94];
	s0 =	simm.s32 @p1 $0x1  }
0x15: {  	[smem:$0x3FB1] =	sst s0;
	s0 =	simm.s32 @!p2 $0x0  }
0x16: {  	s3 =	sld [smem:$0x3FDB];
	s0 =	simm.s32 @p2 $0x1  }
0x17: {  	s4 =	simm.s32 $0x1BF5;
	[smem:$0x3FB3] =	sst s0  }
0x18: {  	s0 =	sld [smem:$0x3F96];
	_ =	swait.ge [sflag:s4], $0x0  }
0x19: {  	s7 =	sld [smem:$0x3F97]  }
0x1a: {  	s8 =	sadd.s32 $0xFFFFE003, lr  }
0x1b: {  	s9 =	sadd.s32 $0xFFFFFEF7, lr;
	s5 =	simm.s32 $0xFFFFFFFF;
	p2 =	slt.u32 s8, $0xFFFFF086  }
0x1c: {  	p1 =	slt.u32 s9, $0xF7A;
	s5 =	simm.s32 @!p2 $0x0  }
0x1d: {  	s5 =	simm.s32 @p1 $0x1;
	p0 =	seq.s32 s7, s2  }
0x1e: {  	s7 =	smul.u32 @!p0 $0xF7A, s2;
	p2 =	seq.s32 @!p0 s5, $0x0  }
0x1f: {  	s9 =	smul.u32 $0xF7A, s1;
	s8 =	simm.s32 @!p0 $0x1BF5;
	p2 =	por !p2, p0  }
0x20: {  	[sflag:s8] =	ssyncset.s32 @!p0 $0xFFFFF086;
	s6 =	sadd.s32 @!p0 s3, s7;
	s7 =	simm.s32 @!p0 $0x108  }
0x21: {  	s3 =	sadd.s32 s3, s9;
	s6 =	sadd.s32 @!p0 $0x88, s6;
	s7 =	simm.s32 @p2 $0x1082  }
0x22: {  	[simem:s7], [sflag:s8] =	dma.local @!p0 [hbm:s6], $0xF7A  }
0x23: {  	s9 =	sor.u32 $0xD0000000, s2;
	s6 =	simm.s32 $0x108;
	_ =	swait.ge @!p0 [sflag:s8], $0x0  }
0x24: {  	s3 =	sadd.s32 $0x88, s3;
	s6 =	simm.s32 @!p1 $0x1082;
	[sflag:s4] =	ssyncset.s32 $0xFFFFF086  }
0x25: {  	[simem:s6], [sflag:s4] =	dma.local [hbm:s3], $0xF7A  }
0x26: {  	[smem:$0x3F97] =	sst s1;
	(tag) =	ssettag s2;
	_ =	strace s9  }
0x27: {  	s1 =	sld [smem:$0x3FA7]  }
0x28: {  	s2 =	sld [smem:$0x3FA8]  }
0x29: {  	s4 =	sld [smem:$0x3FAA]  }
0x2a: {  	p0 =	seq.s32 s5, $0x0;
	s5 =	sld [smem:$0x3FAB]  }
0x2b: {  	s6 =	sld [smem:$0x3FAC]  }
0x2c: {  	s7 =	sld [smem:$0x3FAD]  }
0x2d: {  	s3 =	simm.s32 $0x108;
	s8 =	sld [smem:$0x3FAE]  }
0x2e: {  	s3 =	simm.s32 @!p0 $0x1082;
	s9 =	sld [smem:$0x3FAF]  }
0x2f: {  	lr =	sadd.s32 s0, s3;
	s0 =	sld [smem:$0x3FA6]  }
0x30: {  	s3 =	sld [smem:$0x3FA9]  }
0x31: {  	[smem:$0x3FB2] =	sst s10  }
0x32: {  	s10 =	sld [smem:$0x3FB0];
	_ =	sdelay $0x3  }
0x33: {  	p0 =	seq.s32 s10, $0x1;
	s10 =	sld [smem:$0x3FB2];
	_ =	sdelay $0x3  }
0x34: {  	[smem:$0x3FB2] =	sst s10  }
0x35: {  	s10 =	sld [smem:$0x3FB1];
	_ =	sdelay $0x3  }
0x36: {  	p1 =	seq.s32 s10, $0x1;
	s10 =	sld [smem:$0x3FB2];
	_ =	sdelay $0x3  }
0x37: {  	[smem:$0x3FB2] =	sst s10  }
0x38: {  	s10 =	sld [smem:$0x3FB3]  }
0x39: {  	_ = 	snop;
	(pc) =	sbr.ind lr, $3  }
0x3a: {  	_ = 	snop  }
0x3b: {  	_ = 	snop  }
0x3c: {  	p2 =	seq.s32 s10, $0x1;
	s10 =	sld [smem:$0x3FB2]  }
0x3d: {  	_ =	shalt  }
0x3e: {  	_ =	shalt  }
0x3f: {  	_ =	shalt  }
0x40: {  	_ =	shalt  }
0x41: {  	_ =	shalt  }
0x42: {  	_ =	shalt  }
0x43: {  	_ =	shalt  }
0x44: {  	_ =	shalt  }
0x45: {  	_ =	shalt  }
0x46: {  	_ =	shalt  }
0x47: {  	_ =	shalt  }
0x48: {  	_ =	shalt  }
0x49: {  	_ =	shalt  }
0x4a: {  	_ =	shalt  }
0x4b: {  	_ =	shalt  }
0x4c: {  	_ =	shalt  }
0x4d: {  	_ =	shalt  }
0x4e: {  	_ =	shalt  }
0x4f: {  	_ =	shalt  }
0x50: {  	_ =	shalt  }
0x51: {  	_ =	shalt  }
0x52: {  	_ =	shalt  }
0x53: {  	_ =	shalt  }
0x54: {  	_ =	shalt  }
0x55: {  	_ =	shalt  }
0x56: {  	_ =	shalt  }
0x57: {  	_ =	shalt  }
0x58: {  	_ =	shalt  }
0x59: {  	_ =	shalt  }
0x5a: {  	_ =	shalt  }
0x5b: {  	_ =	shalt  }
0x5c: {  	_ =	shalt  }
0x5d: {  	_ =	shalt  }
0x5e: {  	_ =	shalt  }
0x5f: {  	_ =	shalt  }
0x60: {  	_ =	shalt  }
0x61: {  	_ =	shalt  }
0x62: {  	_ =	shalt  }
0x63: {  	_ =	shalt  }
0x64: {  	_ =	shalt  }
0x65: {  	_ =	shalt  }
0x66: {  	_ =	shalt  }
0x67: {  	_ =	shalt  }
0x68: {  	_ =	shalt  }
0x69: {  	_ =	shalt  }
0x6a: {  	_ =	shalt  }
0x6b: {  	_ =	shalt  }
0x6c: {  	_ =	shalt  }
0x6d: {  	_ =	shalt  }
0x6e: {  	_ =	shalt  }
0x6f: {  	_ =	shalt  }
0x70: {  	_ =	shalt  }
0x71: {  	_ =	shalt  }
0x72: {  	_ =	shalt  }
0x73: {  	_ =	shalt  }
0x74: {  	_ =	shalt  }
0x75: {  	_ =	shalt  }
0x76: {  	_ =	shalt  }
0x77: {  	_ =	shalt  }
0x78: {  	_ =	shalt  }
0x79: {  	_ =	shalt  }
0x7a: {  	_ =	shalt  }
0x7b: {  	_ =	shalt  }
0x7c: {  	_ =	shalt  }
0x7d: {  	_ =	shalt  }
0x7e: {  	_ =	shalt  }
0x7f: {  	_ =	shalt  }
0x80: {  	_ =	shalt  }
0x81: {  	_ =	shalt  }
0x82: {  	_ =	shalt  }
0x83: {  	_ =	shalt  }
0x84: {  	_ =	shalt  }
0x85: {  	_ =	shalt  }
0x86: {  	_ =	shalt  }
0x87: {  	_ =	shalt  }
.Lfunc_end0:
.L_simem_size_0:
called_computation_lowered:
.L_overlay_start_0:
0x88: {  	s2 =	sld [smem:$0x3FD9]  }
0x89: {  	s3 =	sld [smem:$0x3FFE];
	_ =	sdelay $0x1  }
0x8a: {  	s1 =	srdreg.scid  }
0x8b: {  	s0 =	sand.u32 $0x1, s1  }
0x8c: {  	s17 =	sshll.u32 s0, $0xA;
	s2 =	sadd.s32 s3, s2  }
0x8d: {  	s2 =	sadd.s32 s2, s17  }
0x8e: {  	[smem:$0x3FBE] =	sst s2  }
0x8f: {  	_ = 	snop  }
0x90: {  	s2 =	sld [smem:$0x3FD0];
	(tm) =	ssettm $0x1  }
0x91: {  	s18 =	sld [smem:$0x3FFB];
	_ =	sdelay $0x3  }
0x92: {  	_ =	strace s18  }
0x93: {  	s3 =	sld [smem:$0x3FFC];
	_ =	sdelay $0x3  }
0x94: {  	_ =	strace s3  }
0x95: {  	s3 =	sld [smem:$0x3FFD];
	_ =	sdelay $0x3  }
0x96: {  	_ =	strace s3  }
0x97: {  	_ =	strace $0x8FFFFFFF  }
0x98: {  	s19 =	sld [smem:$0x3FDB];
	_ =	sdelay $0x1  }
0x99: {  	s4 =	simm.s32 $_scs_section_size  }
0x9a: {  	s5 =	simm.s32 $_size__tile_overlayer_lowered;
	s6 =	simm.s32 $_tile_overlayer_lowered  }
0x9b: {  	s22 =	simm.s32 $0x1BFF;
	s21 =	sshll.u32 s6, $0x1;
	s3 =	sadd.s32 s4, s19  }
0x9c: {  	s7 =	simm.s32 $0x0;
	s20 =	sshll.u32 s5, $0x1;
	s5 =	sadd.s32 s21, s3  }
0x9d: {  	[timem:s7], [sflag:s22] =	dma.local [hbm:s5], s20  }
0x9e: {  	_ =	swait.ge [sflag:s22], s20  }
0x9f: {  	s4 =	ssub.s32 $0x0, s20;
	[sflag:s22] =	ssyncset.done $0x0  }
0xa0: {  	[sflag:s22] =	ssyncadd.s32 s4;
	_ =	sdelay $0x1  }
0xa1: {  	s23 =	simm.s32 $0x1B8B  }
0xa2: {  	_ =	swait.ge [sflag:s23], $0x1  }
0xa3: {  	[sflag:s23] =	ssyncset.done $0x0  }
0xa4: {  	s25 =	simm.s32 $0x1B8E;
	s24 =	sld [smem:$0x3FFE];
	[sflag:s23] =	ssyncadd.s32 $0xFFFFFFFF  }
0xa5: {  	s26 =	simm.s32 $execute0_lowered;
	[smem:$0x3FD2] =	sst s25  }
0xa6: {  	s5 =	sshll.u32 s26, $0x1;
	_ =	strace $0x80000046;
	[dreg:$0x1] =	wrdreg $0xFFFFFFFF  }
0xa7: {  	s28 =	simm.s32 $_size_execute0_lowered;
	s3 =	sadd.s32 s3, s5;
	[dreg:$0x0] =	wrdreg $0x0  }
0xa8: {  	s5 =	sshll.u32 s28, $0x1;
	[dreg:$0x2] =	wrdreg s3  }
0xa9: {  	[dreg:$0x3] =	wrdreg s5  }
0xaa: {  	[dreg:$0x4] =	wrdreg $0xC0  }
0xab: {  	_ =	task [dreg:s7], $0x5FFFF  }
0xac: {  	[dreg:$0x1] =	wrdreg $0xFFFFFFFF  }
0xad: {  	[dreg:$0x0] =	wrdreg $0x60  }
0xae: {  	[dreg:$0x2] =	wrdreg s24  }
0xaf: {  	[dreg:$0x3] =	wrdreg s2  }
0xb0: {  	[dreg:$0x4] =	wrdreg $0x184000  }
0xb1: {  	[dreg:$0x5] =	wrdreg $0x9  }
0xb2: {  	_ =	task.clear_ibuf [dreg:s7], $0x6FFFF;
	_ =	strace $0x90000046  }
0xb3: {  	s29 =	simm.s32 $0x9;
	_ =	strace $0x80000048  }
0xb4: {  	_ =	swait.ge [sflag:s29], $0x1  }
0xb5: {  	[sflag:s29] =	ssyncadd.s32 $0xFFFFFFFF  }
0xb6: {  	_ =	strace $0x90000048  }
0xb7: {  	_ =	sfence  }
0xb8: {  	s30 =	sld [smem:$0x0];
	_ =	sdelay $0x2  }
0xb9: {  	s31 =	sshll.u32 s1, $0xD;
	s1 =	sshrl.u32 s1, $0x2  }
0xba: {  	s3 =	sand.u32 $0x4000, s31;
	s1 =	sadd.s32 s1, s30  }
0xbb: {  	s0 =	sor.u32 s3, s0;
	s1 =	sshll.u32 s1, $0x11  }
0xbc: {  	s0 =	sor.u32 s1, s0  }
0xbd: {  	s0 =	sadd.s32 $0x8F2B, s0  }
0xbe: {  	[sflag:s0] =	ssyncadd.remote.s32 $0x1  }
0xbf: {  	_ =	sfence.sel $0xFFFF  }
0xc0: {  	[dreg:$0x0] =	wrdreg $0xFFFFFFFF;
	(pc) =	sbr.abs _section_cstart, $3  }
0xc1: {  	[dreg:$0x1] =	wrdreg $0xFFFFFFFF  }
0xc2: {  	_ =	task.clear_ibuf [dreg:s7], $0x2FFFF;
	_ =	strace $0x9FFFFFFF  }
0xc3: {  	(tm) =	ssettm $0x7FFFFFFF  }
tec
execute0_lowered:
.L_overlay_start_1:
0x0: {  	(tag) =	ssettag $0x1  }
0x1: {  	s10 =	rddreg [dreg:$0x0]  }
0x2: {  	s24 =	rddreg [dreg:$0x1]  }
0x3: {  	s2 =	rddreg [dreg:$0x2]  }
0x4: {  	s0 =	rddreg [dreg:$0x3];
	s1 =	stileid.u32  }
0x5: {  	s3 =	simm.s32 $0x0;
	s4 =	srdreg.scid;
	s25 =	smul.u32 $0xC00, s1  }
0x6: {  	[smem:$0x7FF] =	sst s3;
	s23 =	smul.u32 $0x18000, s1  }
0x7: {  	s26 =	sand.u32 $0x1, s4;
	s9 =	smul.u32 $0x300, s1;
	s28 =	sshll.u32 s1, $0x6  }
0x8: {  	s12 =	sshll.u32 s1, $0x7;
	s5 =	sadd.s32 s25, s10;
	s4 =	sshrl.u32 s23, $0x2  }
0x9: {  	_ =	strace $0x80000047;
	s6 =	sadd.s32 s4, s2;
	s4 =	sadd.s32 $0x3400, s5  }
0xa: {  	s5 =	sor.u32 $0x1C01, s28;
	s7 =	sshrl.u32 s6, $0x3;
	s6 =	simm.s32 $0x1  }
0xb: {  	[spmem:s7], [sflag:s5] =	dma.local [hbm:s4], $0xC00  }
0xc: {  	s8 =	smul.u32 $0x3000, s26;
	s11 =	sshll.u32 s26, $0xB;
	_ =	swait.ge [sflag:s6], $0xC00  }
0xd: {  	s11 =	sor.u32 s12, s11;
	[sflag:s6] =	ssyncset.done $0x0  }
0xe: {  	s29 =	sadd.s32 s9, s8;
	s22 =	sadd.s32 s11, s10;
	[sflag:s6] =	ssyncadd.s32 $0xFFFFF400  }
0xf: {  	s9 =	simm.s32 $0x18000;
	s8 =	sadd.s32 $0x2400, s22;
	[bflag:$0x0] =	sbarrier.arrive $0xFFFF  }
0x10: {  	[tilespmem:s9], [sflag:$0x1] =	stream.linear.gather [hbm4b:s8+s3], $0x400, $0x38;
	[tilespmem:$0x1E400] =	vst v63  }
0x11: {  	s30 =	sshll.u32 s29, $0x4;
	_ =	swait.ge [sflag:s6], $0x400  }
0x12: {  	s23 =	sadd.s32 s30, s10;
	[sflag:s6] =	ssyncset.done $0x0  }
0x13: {  	s10 =	sadd.s32 $0x61400, s23;
	[sflag:s6] =	ssyncadd.s32 $0xFFFFFC00  }
0x14: {  	[tilespmem:s3], [sflag:$0x1] =	stream.linear.gather [hbm4b:s10+s3], $0x18000, $0x38;
	[tilespmem:$0x1E400] =	vst v63  }
0x15: {  	_ =	swait.ge [sflag:s6], $0x18000  }
0x16: {  	[sflag:s6] =	ssyncset.done $0x0  }
0x17: {  	s11 =	simm.s32 $0x80;
	[sflag:s6] =	ssyncadd.s32 $0xFFFE8000  }
0x18: {  	[spmem:s2] =	stream.indirect.scatter.add.f32 [tilespmem:s3], [sflag:$0x1], $0x80, s9, s11, $0xb8;
	[tilespmem:$0x1E400] =	vst v63  }
0x19: {  	_ =	swait.ge [sflag:s6], $0x4000  }
0x1a: {  	[sflag:s6] =	ssyncset.done $0x0  }
0x1b: {  	s13 =	simm.s32 $0x4000;
	s12 =	simm.s32 $0x18080;
	[sflag:s6] =	ssyncadd.s32 $0xFFFFC000  }
0x1c: {  	[spmem:s2] =	stream.indirect.scatter.add.f32 [tilespmem:s13], [sflag:$0x1], $0x80, s12, s11, $0xb8;
	[tilespmem:$0x1E400] =	vst v63  }
0x1d: {  	_ =	swait.ge [sflag:s6], $0x4000  }
0x1e: {  	[sflag:s6] =	ssyncset.done $0x0  }
0x1f: {  	s14 =	simm.s32 $0x18100;
	s15 =	simm.s32 $0x8000;
	[sflag:s6] =	ssyncadd.s32 $0xFFFFC000  }
0x20: {  	[spmem:s2] =	stream.indirect.scatter.add.f32 [tilespmem:s15], [sflag:$0x1], $0x80, s14, s11, $0xb8;
	[tilespmem:$0x1E400] =	vst v63  }
0x21: {  	_ =	swait.ge [sflag:s6], $0x4000  }
0x22: {  	[sflag:s6] =	ssyncset.done $0x0  }
0x23: {  	s16 =	simm.s32 $0x18180;
	s17 =	simm.s32 $0xC000;
	[sflag:s6] =	ssyncadd.s32 $0xFFFFC000  }
0x24: {  	[spmem:s2] =	stream.indirect.scatter.add.f32 [tilespmem:s17], [sflag:$0x1], $0x80, s16, s11, $0xb8;
	[tilespmem:$0x1E400] =	vst v63  }
0x25: {  	_ =	swait.ge [sflag:s6], $0x4000  }
0x26: {  	[sflag:s6] =	ssyncset.done $0x0  }
0x27: {  	s18 =	simm.s32 $0x18200;
	s19 =	simm.s32 $0x10000;
	[sflag:s6] =	ssyncadd.s32 $0xFFFFC000  }
0x28: {  	[spmem:s2] =	stream.indirect.scatter.add.f32 [tilespmem:s19], [sflag:$0x1], $0x80, s18, s11, $0xb8;
	[tilespmem:$0x1E400] =	vst v63  }
0x29: {  	_ =	swait.ge [sflag:s6], $0x4000  }
0x2a: {  	[sflag:s6] =	ssyncset.done $0x0  }
0x2b: {  	s20 =	simm.s32 $0x18280;
	s21 =	simm.s32 $0x14000;
	[sflag:s6] =	ssyncadd.s32 $0xFFFFC000  }
0x2c: {  	[spmem:s2] =	stream.indirect.scatter.add.f32 [tilespmem:s21], [sflag:$0x1], $0x80, s20, s11, $0xb8;
	[tilespmem:$0x1E400] =	vst v63  }
0x2d: {  	_ =	swait.ge [sflag:s6], $0x4000  }
0x2e: {  	[sflag:s6] =	ssyncset.done $0x0  }
0x2f: {  	s22 =	sadd.s32 $0x1400, s22;
	[sflag:s6] =	ssyncadd.s32 $0xFFFFC000  }
0x30: {  	[tilespmem:s9], [sflag:$0x1] =	stream.linear.gather [hbm4b:s22+s3], $0x400, $0x38;
	[tilespmem:$0x1E400] =	vst v63  }
0x31: {  	_ =	swait.ge [sflag:s6], $0x400  }
0x32: {  	[sflag:s6] =	ssyncset.done $0x0  }
0x33: {  	s23 =	sadd.s32 $0xC1400, s23;
	[sflag:s6] =	ssyncadd.s32 $0xFFFFFC00  }
0x34: {  	[tilespmem:s3], [sflag:$0x1] =	stream.linear.gather [hbm4b:s23+s3], $0x18000, $0x38;
	[tilespmem:$0x1E400] =	vst v63  }
0x35: {  	_ =	swait.ge [sflag:s6], $0x18000  }
0x36: {  	[sflag:s6] =	ssyncset.done $0x0  }
0x37: {  	[sflag:s6] =	ssyncadd.s32 $0xFFFE8000  }
0x38: {  	[spmem:s2] =	stream.indirect.scatter.add.f32 [tilespmem:s3], [sflag:$0x1], $0x80, s9, s11, $0xb8;
	[tilespmem:$0x1E400] =	vst v63  }
0x39: {  	_ =	swait.ge [sflag:s6], $0x4000  }
0x3a: {  	[sflag:s6] =	ssyncset.done $0x0  }
0x3b: {  	[sflag:s6] =	ssyncadd.s32 $0xFFFFC000  }
0x3c: {  	[spmem:s2] =	stream.indirect.scatter.add.f32 [tilespmem:s13], [sflag:$0x1], $0x80, s12, s11, $0xb8;
	[tilespmem:$0x1E400] =	vst v63  }
0x3d: {  	_ =	swait.ge [sflag:s6], $0x4000  }
0x3e: {  	[sflag:s6] =	ssyncset.done $0x0  }
0x3f: {  	[sflag:s6] =	ssyncadd.s32 $0xFFFFC000  }
0x40: {  	[spmem:s2] =	stream.indirect.scatter.add.f32 [tilespmem:s15], [sflag:$0x1], $0x80, s14, s11, $0xb8;
	[tilespmem:$0x1E400] =	vst v63  }
0x41: {  	_ =	swait.ge [sflag:s6], $0x4000  }
0x42: {  	[sflag:s6] =	ssyncset.done $0x0  }
0x43: {  	[sflag:s6] =	ssyncadd.s32 $0xFFFFC000  }
0x44: {  	[spmem:s2] =	stream.indirect.scatter.add.f32 [tilespmem:s17], [sflag:$0x1], $0x80, s16, s11, $0xb8;
	[tilespmem:$0x1E400] =	vst v63  }
0x45: {  	_ =	swait.ge [sflag:s6], $0x4000  }
0x46: {  	[sflag:s6] =	ssyncset.done $0x0  }
0x47: {  	[sflag:s6] =	ssyncadd.s32 $0xFFFFC000  }
0x48: {  	[spmem:s2] =	stream.indirect.scatter.add.f32 [tilespmem:s19], [sflag:$0x1], $0x80, s18, s11, $0xb8;
	[tilespmem:$0x1E400] =	vst v63  }
0x49: {  	s28 =	ssub.s32 $0x2, s26;
	_ =	swait.ge [sflag:s6], $0x4000  }
0x4a: {  	s29 =	sshrl.u32 s28, $0x1;
	[sflag:s6] =	ssyncset.done $0x0  }
0x4b: {  	s28 =	ssub.s32 s28, s29;
	[sflag:s6] =	ssyncadd.s32 $0xFFFFC000  }
0x4c: {  	[spmem:s2] =	stream.indirect.scatter.add.f32 [tilespmem:s21], [sflag:$0x1], $0x80, s20, s11, $0xb8;
	[tilespmem:$0x1E400] =	vst v63  }
0x4d: {  	s26 =	smul.u32 $0xC000, s26;
	s31 =	smax.u32 s28, $0x1;
	_ =	swait.ge [sflag:s6], $0x4000  }
0x4e: {  	p0 =	sne.s32 s31, $0x1;
	[sflag:s6] =	ssyncset.done $0x0  }
.Ltmp0:
0x4f: {  	s25 =	sadd.s32 s25, s26;
	[sflag:s6] =	ssyncadd.s32 $0xFFFFC000;
	(pc) =	sbr.rel @!p0 .LBB2_2-.Ltmp0, $4  }
0x50: {  	s24 =	sadd.s32 s24, s25;
	[bflag:$0x0] =	sbarrier.arrive $0xFFFF  }
0x51: {  	[hbm:s24], [sflag:s5] =	dma.local [spmem:s7], $0xC00  }
0x52: {  	_ =	swait.ge [sflag:s6], $0xC00  }
0x53: {  	s25 =	sadd.s32 $0xFFFFFFFF, s31;
	[sflag:s6] =	ssyncset.done $0x0  }
.LBB2_1:
0x54: {  	p0 =	sne.s32 s25, $0x1;
	s25 =	sadd.s32 $0xFFFFFFFF, s25;
	[sflag:s6] =	ssyncadd.s32 $0xFFFFF400  }
0x55: {  	[spmem:s7], [sflag:s5] =	dma.local [hbm:s4], $0xC00  }
0x56: {  	_ =	swait.ge [sflag:s6], $0xC00  }
0x57: {  	[sflag:s6] =	ssyncset.done $0x0  }
0x58: {  	[sflag:s6] =	ssyncadd.s32 $0xFFFFF400  }
0x59: {  	[bflag:$0x0] =	sbarrier.arrive $0xFFFF  }
0x5a: {  	[tilespmem:s9], [sflag:$0x1] =	stream.linear.gather [hbm4b:s8+s3], $0x400, $0x38;
	[tilespmem:$0x1E400] =	vst v63  }
0x5b: {  	_ =	swait.ge [sflag:s6], $0x400  }
0x5c: {  	[sflag:s6] =	ssyncset.done $0x0  }
0x5d: {  	[sflag:s6] =	ssyncadd.s32 $0xFFFFFC00  }
0x5e: {  	[tilespmem:s3], [sflag:$0x1] =	stream.linear.gather [hbm4b:s10+s3], $0x18000, $0x38;
	[tilespmem:$0x1E400] =	vst v63  }
0x5f: {  	_ =	swait.ge [sflag:s6], $0x18000  }
0x60: {  	[sflag:s6] =	ssyncset.done $0x0  }
0x61: {  	[sflag:s6] =	ssyncadd.s32 $0xFFFE8000  }
0x62: {  	[spmem:s2] =	stream.indirect.scatter.add.f32 [tilespmem:s3], [sflag:$0x1], $0x80, s9, s11, $0xb8;
	[tilespmem:$0x1E400] =	vst v63  }
0x63: {  	_ =	swait.ge [sflag:s6], $0x4000  }
0x64: {  	[sflag:s6] =	ssyncset.done $0x0  }
0x65: {  	[sflag:s6] =	ssyncadd.s32 $0xFFFFC000  }
0x66: {  	[spmem:s2] =	stream.indirect.scatter.add.f32 [tilespmem:s13], [sflag:$0x1], $0x80, s12, s11, $0xb8;
	[tilespmem:$0x1E400] =	vst v63  }
0x67: {  	_ =	swait.ge [sflag:s6], $0x4000  }
0x68: {  	[sflag:s6] =	ssyncset.done $0x0  }
0x69: {  	[sflag:s6] =	ssyncadd.s32 $0xFFFFC000  }
0x6a: {  	[spmem:s2] =	stream.indirect.scatter.add.f32 [tilespmem:s15], [sflag:$0x1], $0x80, s14, s11, $0xb8;
	[tilespmem:$0x1E400] =	vst v63  }
0x6b: {  	_ =	swait.ge [sflag:s6], $0x4000  }
0x6c: {  	[sflag:s6] =	ssyncset.done $0x0  }
0x6d: {  	[sflag:s6] =	ssyncadd.s32 $0xFFFFC000  }
0x6e: {  	[spmem:s2] =	stream.indirect.scatter.add.f32 [tilespmem:s17], [sflag:$0x1], $0x80, s16, s11, $0xb8;
	[tilespmem:$0x1E400] =	vst v63  }
0x6f: {  	_ =	swait.ge [sflag:s6], $0x4000  }
0x70: {  	[sflag:s6] =	ssyncset.done $0x0  }
0x71: {  	[sflag:s6] =	ssyncadd.s32 $0xFFFFC000  }
0x72: {  	[spmem:s2] =	stream.indirect.scatter.add.f32 [tilespmem:s19], [sflag:$0x1], $0x80, s18, s11, $0xb8;
	[tilespmem:$0x1E400] =	vst v63  }
0x73: {  	_ =	swait.ge [sflag:s6], $0x4000  }
0x74: {  	[sflag:s6] =	ssyncset.done $0x0  }
0x75: {  	[sflag:s6] =	ssyncadd.s32 $0xFFFFC000  }
0x76: {  	[spmem:s2] =	stream.indirect.scatter.add.f32 [tilespmem:s21], [sflag:$0x1], $0x80, s20, s11, $0xb8;
	[tilespmem:$0x1E400] =	vst v63  }
0x77: {  	_ =	swait.ge [sflag:s6], $0x4000  }
0x78: {  	[sflag:s6] =	ssyncset.done $0x0  }
0x79: {  	[sflag:s6] =	ssyncadd.s32 $0xFFFFC000  }
0x7a: {  	[tilespmem:s9], [sflag:$0x1] =	stream.linear.gather [hbm4b:s22+s3], $0x400, $0x38;
	[tilespmem:$0x1E400] =	vst v63  }
0x7b: {  	_ =	swait.ge [sflag:s6], $0x400  }
0x7c: {  	[sflag:s6] =	ssyncset.done $0x0  }
0x7d: {  	[sflag:s6] =	ssyncadd.s32 $0xFFFFFC00  }
0x7e: {  	[tilespmem:s3], [sflag:$0x1] =	stream.linear.gather [hbm4b:s23+s3], $0x18000, $0x38;
	[tilespmem:$0x1E400] =	vst v63  }
0x7f: {  	_ =	swait.ge [sflag:s6], $0x18000  }
0x80: {  	[sflag:s6] =	ssyncset.done $0x0  }
0x81: {  	[sflag:s6] =	ssyncadd.s32 $0xFFFE8000  }
0x82: {  	[spmem:s2] =	stream.indirect.scatter.add.f32 [tilespmem:s3], [sflag:$0x1], $0x80, s9, s11, $0xb8;
	[tilespmem:$0x1E400] =	vst v63  }
0x83: {  	_ =	swait.ge [sflag:s6], $0x4000  }
0x84: {  	[sflag:s6] =	ssyncset.done $0x0  }
0x85: {  	[sflag:s6] =	ssyncadd.s32 $0xFFFFC000  }
0x86: {  	[spmem:s2] =	stream.indirect.scatter.add.f32 [tilespmem:s13], [sflag:$0x1], $0x80, s12, s11, $0xb8;
	[tilespmem:$0x1E400] =	vst v63  }
0x87: {  	_ =	swait.ge [sflag:s6], $0x4000  }
0x88: {  	[sflag:s6] =	ssyncset.done $0x0  }
0x89: {  	[sflag:s6] =	ssyncadd.s32 $0xFFFFC000  }
0x8a: {  	[spmem:s2] =	stream.indirect.scatter.add.f32 [tilespmem:s15], [sflag:$0x1], $0x80, s14, s11, $0xb8;
	[tilespmem:$0x1E400] =	vst v63  }
0x8b: {  	_ =	swait.ge [sflag:s6], $0x4000  }
0x8c: {  	[sflag:s6] =	ssyncset.done $0x0  }
0x8d: {  	[sflag:s6] =	ssyncadd.s32 $0xFFFFC000  }
0x8e: {  	[spmem:s2] =	stream.indirect.scatter.add.f32 [tilespmem:s17], [sflag:$0x1], $0x80, s16, s11, $0xb8;
	[tilespmem:$0x1E400] =	vst v63  }
0x8f: {  	_ =	swait.ge [sflag:s6], $0x4000  }
0x90: {  	[sflag:s6] =	ssyncset.done $0x0  }
0x91: {  	[sflag:s6] =	ssyncadd.s32 $0xFFFFC000  }
0x92: {  	[spmem:s2] =	stream.indirect.scatter.add.f32 [tilespmem:s19], [sflag:$0x1], $0x80, s18, s11, $0xb8;
	[tilespmem:$0x1E400] =	vst v63  }
0x93: {  	_ =	swait.ge [sflag:s6], $0x4000  }
0x94: {  	[sflag:s6] =	ssyncset.done $0x0  }
0x95: {  	[sflag:s6] =	ssyncadd.s32 $0xFFFFC000  }
0x96: {  	[spmem:s2] =	stream.indirect.scatter.add.f32 [tilespmem:s21], [sflag:$0x1], $0x80, s20, s11, $0xb8;
	[tilespmem:$0x1E400] =	vst v63  }
0x97: {  	_ =	swait.ge [sflag:s6], $0x4000  }
0x98: {  	[sflag:s6] =	ssyncset.done $0x0  }
.Ltmp1:
0x99: {  	[sflag:s6] =	ssyncadd.s32 $0xFFFFC000;
	(pc) =	sbr.rel @p0 .LBB2_1-.Ltmp1, $4  }
0x9a: {  	[bflag:$0x0] =	sbarrier.arrive $0xFFFF  }
0x9b: {  	[hbm:s24], [sflag:s5] =	dma.local [spmem:s7], $0xC00  }
0x9c: {  	_ =	swait.ge [sflag:s6], $0xC00  }
0x9d: {  	[sflag:s6] =	ssyncset.done $0x0  }
.LBB2_2:
0x9e: {  	[sflag:s6] =	ssyncadd.s32 $0xFFFFF400  }
0x9f: {  	_ =	sfence.sel $0x180000  }
0xa0: {  	[bflag:$0x0] =	sbarrier.arrive $0xFFFF  }
0xa1: {  	p0 =	sne.s32 s1, $0x0;
	_ =	strace $0x90000047  }
0xa2: {  	s0 =	sadd.s32 @!p0 $0x100000, s0;
	[bflag:$0x2] =	sbarrier.arrive $0xFFFF  }
0xa3: {  	[sflag:s0] =	ssyncadd.tile.s32 @!p0 $0x1;
	_ =	shalt  }
.Lfunc_end2:
_tile_overlayer_lowered:
.L_overlay_start_2:
0xa4: {  	(tag) =	ssettag $0x2  }
0xa5: {  	s0 =	rddreg [dreg:$0x0];
	s2 =	stileid.u32  }
0xa6: {  	s1 =	rddreg [dreg:$0x1];
	p0 =	sne.s32 s2, $0x0  }
0xa7: {  	s3 =	rddreg [dreg:$0x2];
	[bflag:$0x3] =	sbarrier.arrive $0xFFFF;
	s2 =	simm.s32 @!p0 $0x1C01  }
0xa8: {  	[timem:s3], [sflag:s2] =	dma.local @!p0 [hbm:s0], s1  }
0xa9: {  	s0 =	simm.s32 @!p0 $0x1  }
0xaa: {  	_ =	swait.ge @!p0 [sflag:s0], s1  }
0xab: {  	s1 =	ssub.s32 @!p0 $0x0, s1;
	[sflag:s0] =	ssyncset.done @!p0 $0x0  }
0xac: {  	[sflag:s0] =	ssyncadd.s32 @!p0 s1  }
0xad: {  	[bflag:$0x3] =	sbarrier.arrive $0xFFFF  }
0xae: {  	_ =	shalt  }

</sc_bundles>
